<compile_context>
chip_gen: v7x
topology: tpu7x:2x2x1
jax: 0.10.2.dev20260603
libtpu: 0.0.44.dev20260713+nightly
codegen_flags: <defaults>
</compile_context>

<pallas_src>
import jax
import jax.numpy as jnp
from jax import lax
from jax.experimental import pallas as pl
from jax.experimental.pallas import tpu as pltpu
from jax.experimental.pallas import tpu_sc as plsc

N_NODES = 10000
N_EDGES = 10000
NNZ = 320000
CH = 128

NC = 2
NS = 16
NW = NC * NS
CHUNK = 128
CHUNKS_PER_W = 80
PHASES = 2
PHASE_CHUNKS = CHUNKS_PER_W // PHASES
TOTAL_CHUNKS = NW * CHUNKS_PER_W
NNZ_PAD = TOTAL_CHUNKS * CHUNK
ROWS = 10112
ROWS_PER_TILE = ROWS // NS
TRASH = 10000



def _lorentz_body(x_ref, w_ref, esc_ref, o_ref):
    x = x_ref[...]
    w = w_ref[...]
    y = jnp.dot(x, w.T, preferred_element_type=jnp.float32)
    y0 = y[:, 0:1]
    time = jax.nn.sigmoid(y0) * esc_ref[0, 0] + 1.1
    sq = jnp.sum(y * y, axis=1, keepdims=True) - y0 * y0
    sq = jnp.clip(sq, 1e-8, None)
    s = (time * time - 1.0) / sq
    col = lax.broadcasted_iota(jnp.int32, y.shape, 1)
    o_ref[...] = jnp.where(col == 0, time, y * jnp.sqrt(s))


def _lorentz_tc(X, W, escale):
    grid = 10
    rows = N_NODES // grid
    return pl.pallas_call(
        _lorentz_body,
        grid=(grid,),
        in_specs=[
            pl.BlockSpec((rows, CH), lambda i: (i, 0)),
            pl.BlockSpec((CH, CH), lambda i: (0, 0)),
            pl.BlockSpec(memory_space=pltpu.SMEM),
        ],
        out_specs=pl.BlockSpec((rows, CH), lambda i: (i, 0)),
        out_shape=jax.ShapeDtypeStruct((N_NODES, CH), jnp.float32),
    )(X, W, escale)


def _norm_body(p_ref, o_ref):
    xe = p_ref[0] + p_ref[1]
    x0 = xe[:, 0:1]
    neg_inner = 2.0 * x0 * x0 - jnp.sum(xe * xe, axis=1, keepdims=True)
    denom = jnp.sqrt(jnp.clip(jnp.abs(neg_inner), 1e-8, None))
    o_ref[...] = xe / denom


def _norm_tc(P):
    grid = 4
    rows = ROWS // grid
    return pl.pallas_call(
        _norm_body,
        grid=(grid,),
        in_specs=[pl.BlockSpec((2, rows, CH), lambda i: (0, i, 0))],
        out_specs=pl.BlockSpec((rows, CH), lambda i: (i, 0)),
        out_shape=jax.ShapeDtypeStruct((ROWS, CH), jnp.float32),
    )(P)


def _final_body(q_ref, x1_ref, eps_ref, o_ref):
    o_ref[...] = eps_ref[0, 0] * (q_ref[0] + q_ref[1]) + x1_ref[...]


def _final_tc(Q, X1, eps):
    grid = 10
    rows = N_NODES // grid
    return pl.pallas_call(
        _final_body,
        grid=(grid,),
        in_specs=[
            pl.BlockSpec((2, rows, CH), lambda i: (0, i, 0)),
            pl.BlockSpec((rows, CH), lambda i: (i, 0)),
            pl.BlockSpec(memory_space=pltpu.SMEM),
        ],
        out_specs=pl.BlockSpec((rows, CH), lambda i: (i, 0)),
        out_shape=jax.ShapeDtypeStruct((N_NODES, CH), jnp.float32),
    )(Q, X1, eps)



def _sc_body(table_hbm, gidx_hbm, sidx_hbm, zeros_hbm, out_hbm,
             gidx_v, sidx_v, buf0, buf1, acc, sem0, sem1):
    cid = lax.axis_index("c")
    sid = lax.axis_index("s")
    base = (cid * NS + sid) * CHUNKS_PER_W
    pltpu.sync_copy(gidx_hbm.at[pl.ds(base, CHUNKS_PER_W)], gidx_v)
    r0 = sid * ROWS_PER_TILE
    pltpu.sync_copy(zeros_hbm.at[pl.ds(r0, ROWS_PER_TILE)],
                    acc.at[pl.ds(r0, ROWS_PER_TILE)])
    pltpu.async_copy(table_hbm.at[gidx_v.at[0]], buf0, sem0)
    plsc.subcore_barrier()

    for ph in range(PHASES):
        pltpu.sync_copy(
            sidx_hbm.at[pl.ds(base + ph * PHASE_CHUNKS, PHASE_CHUNKS)],
            sidx_v)

        def body(t, carry):
            j = ph * PHASE_CHUNKS + 2 * t
            s = 2 * t
            pltpu.async_copy(table_hbm.at[gidx_v.at[j + 1]], buf1, sem1)
            pltpu.make_async_copy(table_hbm.at[gidx_v.at[j]],
                                  buf0, sem0).wait()
            pltpu.sync_copy(buf0, acc.at[sidx_v.at[s]], add=True)

            @pl.when(j + 2 < CHUNKS_PER_W)
            def _():
                pltpu.async_copy(table_hbm.at[gidx_v.at[j + 2]], buf0, sem0)

            pltpu.make_async_copy(table_hbm.at[gidx_v.at[j + 1]],
                                  buf1, sem1).wait()
            pltpu.sync_copy(buf1, acc.at[sidx_v.at[s + 1]], add=True)
            return carry

        lax.fori_loop(0, PHASE_CHUNKS // 2, body, 0)

    plsc.subcore_barrier()
    pltpu.sync_copy(acc.at[pl.ds(r0, ROWS_PER_TILE)],
                    out_hbm.at[cid, pl.ds(r0, ROWS_PER_TILE)])


def _sc_gather_scatter(table, gidx, sidx, zeros):
    return pl.kernel(
        _sc_body,
        out_type=jax.ShapeDtypeStruct((NC, ROWS, CH), jnp.float32),
        mesh=plsc.VectorSubcoreMesh(core_axis_name="c", subcore_axis_name="s"),
        scratch_types=[
            pltpu.VMEM((CHUNKS_PER_W, CHUNK), jnp.int32),
            pltpu.VMEM((PHASE_CHUNKS, CHUNK), jnp.int32),
            pltpu.VMEM((CHUNK, CH), jnp.float32),
            pltpu.VMEM((CHUNK, CH), jnp.float32),
            pltpu.VMEM_SHARED((ROWS, CH), jnp.float32),
            pltpu.SemaphoreType.DMA,
            pltpu.SemaphoreType.DMA,
        ],
    )(table, gidx, sidx, zeros)



def kernel(X, vertex, edges, W_lin, scale, eps):
    npad = NNZ_PAD - NNZ
    pad_i = jnp.arange(npad, dtype=jnp.int32)
    pad0 = pad_i % N_NODES
    padt = TRASH + pad_i % (ROWS - TRASH)
    nrow = NNZ_PAD // CHUNK
    vg = jnp.concatenate([vertex, pad0]).reshape(nrow, CHUNK)
    es = jnp.concatenate([edges, padt]).reshape(nrow, CHUNK)
    eg = jnp.concatenate([edges, pad0]).reshape(nrow, CHUNK)
    vs = jnp.concatenate([vertex, padt]).reshape(nrow, CHUNK)
    zeros = jnp.zeros((ROWS, CH), jnp.float32)

    escale = jnp.exp(scale).reshape(1, 1)
    X1 = _lorentz_tc(X, W_lin, escale)
    P = _sc_gather_scatter(X1, vg, es, zeros)
    Xe = _norm_tc(P)
    Q = _sc_gather_scatter(Xe, eg, vs, zeros)
    return _final_tc(Q, X1, eps.reshape(1, 1))

# --- scband reference (transcript-rebuilt; emitter-appended) ---
"""Pipeline reference for scband-h2-conv-87205015978222 (READ-ONLY COPY).

The authoritative reference and input builder live on the scoring server;
editing this copy changes nothing except your own understanding.
"""

import jax, jax.numpy as jnp
import numpy as np
import math

N_NODES = 10000
N_HYPEREDGES = 10000
NNZ = 320000
IN_CH = 128
OUT_CH = 16
HEADS = 8
C = 1.0


def lorentz_linear(x, W, scale):
    # HyboNet LorentzLinear, bias=False, nonlin=None, dropout=0.0
    x = x @ W.T
    x_narrow = x[..., 1:]
    time = jax.nn.sigmoid(x[..., 0:1]) * jnp.exp(scale) + 1.1
    sq = jnp.clip((x_narrow * x_narrow).sum(axis=-1, keepdims=True), 1e-8, None)
    s = (time * time - 1.0) / sq
    return jnp.concatenate([time, x_narrow * jnp.sqrt(s)], axis=-1)


def setup_inputs(seed: int = 0) -> dict:
    key = jax.random.key(seed)
    k1, k2, k3, k4, k5 = jax.random.split(key, 5)
    X = jax.random.normal(k1, (N_NODES, IN_CH), dtype=jnp.float32)
    vertex = jax.random.randint(k2, (NNZ,), 0, N_NODES, dtype=jnp.int32)
    edges = jax.random.randint(k3, (NNZ,), 0, N_HYPEREDGES, dtype=jnp.int32)
    # LorentzLinear weight: out = heads*out_channels = 128, in = 128
    W_lin = jax.random.normal(k4, (HEADS * OUT_CH, IN_CH), dtype=jnp.float32) * (1.0 / math.sqrt(IN_CH))
    scale = jnp.asarray(math.log(10.0), dtype=jnp.float32)  # self.scale param
    eps = jnp.asarray([0.5], dtype=jnp.float32)  # ManifoldParameter eps
    return {"X": X, "vertex": vertex, "edges": edges, "W_lin": W_lin, "scale": scale, "eps": eps}


def reference(X, vertex, edges, W_lin, scale, eps):
    N = X.shape[0]
    X1 = lorentz_linear(X, W_lin, scale)
    # Xve = X[vertex]; Xe = scatter_sum over hyperedges
    Xve = jnp.take(X1, vertex, axis=0)
    Xe = jax.ops.segment_sum(Xve, edges, num_segments=N_HYPEREDGES)
    # Lorentz inner <Xe, Xe>_L = -x0^2 + sum(xi^2); denom = -inner
    inner = -Xe[:, 0:1] * Xe[:, 0:1] + (Xe[:, 1:] * Xe[:, 1:]).sum(axis=-1, keepdims=True)
    denom = -inner
    denom = jnp.sqrt(jnp.clip(jnp.abs(denom), 1e-8, None))
    Xe = Xe / (denom * math.sqrt(1.0 / C))
    # gather back to incidences, scatter-sum to vertices
    Xev = jnp.take(Xe, edges, axis=0)
    Xv = jax.ops.segment_sum(Xev, vertex, num_segments=N)
    out = eps * Xv + X1
    return out

if __name__ == "__main__":
    import jax
    _d = setup_inputs()
    print(jax.jit(kernel)(*tuple(_d.values())))

</pallas_src>

<mosaic_0001>
#map = affine_map<(d0, d1) -> (0, 0)>
#map1 = affine_map<(d0, d1) -> (0, 0, 0)>
module attributes {stable_mosaic.version = 14 : i64} {
  func.func @_sc_body(%arg0: i32, %arg1: i32, %arg2: memref<10112x128xf32, #tpu.memory_space<hbm>>, %arg3: memref<2560x128xi32, #tpu.memory_space<hbm>>, %arg4: memref<2560x128xi32, #tpu.memory_space<hbm>>, %arg5: memref<10112x128xf32, #tpu.memory_space<hbm>>, %arg6: memref<2x10112x128xf32, #tpu.memory_space<hbm>>, %arg7: memref<80x128xi32, #tpu.memory_space<vmem>>, %arg8: memref<40x128xi32, #tpu.memory_space<vmem>>, %arg9: memref<128x128xf32, #tpu.memory_space<vmem>>, %arg10: memref<128x128xf32, #tpu.memory_space<vmem>>, %arg11: memref<10112x128xf32, #tpu.memory_space<vmem_shared>>, %arg12: memref<!tpu.dma_semaphore, #tpu.memory_space<semaphore_mem>>, %arg13: memref<!tpu.dma_semaphore, #tpu.memory_space<semaphore_mem>>) attributes {dimension_semantics = [#tpu.dimension_semantics<core_parallel>, #tpu.dimension_semantics<subcore_parallel>], iteration_bounds = array<i64: 2, 16>, scalar_prefetch = 0 : i64, scratch_operands = 7 : i64, tpu.core_type = #tpu.core_type<sc_vector_subcore>, window_params = [{transform_indices = #map}, {transform_indices = #map}, {transform_indices = #map}, {transform_indices = #map}, {transform_indices = #map1}]} {
    %mul3A = arith.constant 16 : i32
    %mul3A_0 = arith.muli %arg0, %mul3A : i32
    %add3A = arith.addi %mul3A_0, %arg1 : i32
    %mul3A_1 = arith.constant 80 : i32
    %mul3A_2 = arith.muli %add3A, %mul3A_1 : i32
    "tpu.region"() ({
      %run_scoped3A = tpu.sem_alloc : memref<!tpu.dma_semaphore, #tpu.memory_space<semaphore_mem>>
      %dma_start3A_27 = arith.constant 0 : i32
      %dma_start3A_28 = tpu.memref_slice %arg3[%mul3A_2, %dma_start3A_27] : memref<2560x128xi32, #tpu.memory_space<hbm>> -> memref<80x128xi32, #tpu.memory_space<hbm>>
      %dma_start3A_29 = arith.constant 0 : i32
      %dma_start3A_30 = tpu.memref_slice %arg3[%mul3A_2, %dma_start3A_29] : memref<2560x128xi32, #tpu.memory_space<hbm>> -> memref<80x128xi32, #tpu.memory_space<hbm>>
      tpu.enqueue_dma source(%dma_start3A_30 : memref<80x128xi32, #tpu.memory_space<hbm>>) target(%arg7 : memref<80x128xi32, #tpu.memory_space<vmem>>) target_semaphore(%run_scoped3A : memref<!tpu.dma_semaphore, #tpu.memory_space<semaphore_mem>>)
      %dma_wait3A = arith.constant 0 : i32
      %dma_wait3A_31 = tpu.memref_slice %arg3[%mul3A_2, %dma_wait3A] : memref<2560x128xi32, #tpu.memory_space<hbm>> -> memref<80x128xi32, #tpu.memory_space<hbm>>
      %dma_wait3A_32 = arith.constant 0 : i32
      %dma_wait3A_33 = tpu.memref_slice %arg3[%mul3A_2, %dma_wait3A_32] : memref<2560x128xi32, #tpu.memory_space<hbm>> -> memref<80x128xi32, #tpu.memory_space<hbm>>
      tpu.wait_dma2 semaphore(%run_scoped3A : memref<!tpu.dma_semaphore, #tpu.memory_space<semaphore_mem>>) src(%dma_wait3A_33 : memref<80x128xi32, #tpu.memory_space<hbm>>) dst(%arg7 : memref<80x128xi32, #tpu.memory_space<vmem>>)
      tpu.yield
    }) : () -> ()
    %mul3A_3 = arith.constant 632 : i32
    %mul3A_4 = arith.muli %arg1, %mul3A_3 : i32
    "tpu.region"() ({
      %run_scoped3A = tpu.sem_alloc : memref<!tpu.dma_semaphore, #tpu.memory_space<semaphore_mem>>
      %dma_start3A_27 = arith.constant 0 : i32
      %dma_start3A_28 = tpu.memref_slice %arg11[%mul3A_4, %dma_start3A_27] : memref<10112x128xf32, #tpu.memory_space<vmem_shared>> -> memref<632x128xf32, #tpu.memory_space<vmem_shared>>
      %dma_start3A_29 = arith.constant 0 : i32
      %dma_start3A_30 = tpu.memref_slice %arg5[%mul3A_4, %dma_start3A_29] : memref<10112x128xf32, #tpu.memory_space<hbm>> -> memref<632x128xf32, #tpu.memory_space<hbm>>
      tpu.enqueue_dma source(%dma_start3A_30 : memref<632x128xf32, #tpu.memory_space<hbm>>) target(%dma_start3A_28 : memref<632x128xf32, #tpu.memory_space<vmem_shared>>) target_semaphore(%run_scoped3A : memref<!tpu.dma_semaphore, #tpu.memory_space<semaphore_mem>>)
      %dma_wait3A = arith.constant 0 : i32
      %dma_wait3A_31 = tpu.memref_slice %arg11[%mul3A_4, %dma_wait3A] : memref<10112x128xf32, #tpu.memory_space<vmem_shared>> -> memref<632x128xf32, #tpu.memory_space<vmem_shared>>
      %dma_wait3A_32 = arith.constant 0 : i32
      %dma_wait3A_33 = tpu.memref_slice %arg5[%mul3A_4, %dma_wait3A_32] : memref<10112x128xf32, #tpu.memory_space<hbm>> -> memref<632x128xf32, #tpu.memory_space<hbm>>
      tpu.wait_dma2 semaphore(%run_scoped3A : memref<!tpu.dma_semaphore, #tpu.memory_space<semaphore_mem>>) src(%dma_wait3A_33 : memref<632x128xf32, #tpu.memory_space<hbm>>) dst(%dma_wait3A_31 : memref<632x128xf32, #tpu.memory_space<vmem_shared>>)
      tpu.yield
    }) : () -> ()
    %dma_start3A = arith.constant 0 : i32
    %dma_start3A_5 = arith.constant 0 : i32
    %dma_start3A_6 = tpu.memref_slice %arg7[%dma_start3A, %dma_start3A_5] : memref<80x128xi32, #tpu.memory_space<vmem>> -> memref<1x128xi32, #tpu.memory_space<vmem>>
    %dma_start3A_7 = tpu.memref_squeeze %dma_start3A_6 : memref<1x128xi32, #tpu.memory_space<vmem>> -> memref<128xi32, #tpu.memory_space<vmem>>
    %dma_start3A_8 = arith.constant 0 : i32
    %dma_start3A_9 = arith.constant 0 : i32
    %dma_start3A_10 = tpu.memref_slice %arg2[%dma_start3A_8, %dma_start3A_9] : memref<10112x128xf32, #tpu.memory_space<hbm>> -> memref<10112x128xf32, #tpu.memory_space<hbm>>
    tpu.enqueue_indirect_dma source(%dma_start3A_10 : memref<10112x128xf32, #tpu.memory_space<hbm>>) target(%arg9 : memref<128x128xf32, #tpu.memory_space<vmem>>) offsets(%dma_start3A_7 : memref<128xi32, #tpu.memory_space<vmem>>) semaphore(%arg12 : memref<!tpu.dma_semaphore, #tpu.memory_space<semaphore_mem>>)
    %barrier3A = arith.constant 0 : index
    tpu.barrier barrier_id(%barrier3A)
    %add3A_11 = arith.constant 0 : i32
    %add3A_12 = arith.addi %mul3A_2, %add3A_11 : i32
    "tpu.region"() ({
      %run_scoped3A = tpu.sem_alloc : memref<!tpu.dma_semaphore, #tpu.memory_space<semaphore_mem>>
      %dma_start3A_27 = arith.constant 0 : i32
      %dma_start3A_28 = tpu.memref_slice %arg4[%add3A_12, %dma_start3A_27] : memref<2560x128xi32, #tpu.memory_space<hbm>> -> memref<40x128xi32, #tpu.memory_space<hbm>>
      %dma_start3A_29 = arith.constant 0 : i32
      %dma_start3A_30 = tpu.memref_slice %arg4[%add3A_12, %dma_start3A_29] : memref<2560x128xi32, #tpu.memory_space<hbm>> -> memref<40x128xi32, #tpu.memory_space<hbm>>
      tpu.enqueue_dma source(%dma_start3A_30 : memref<40x128xi32, #tpu.memory_space<hbm>>) target(%arg8 : memref<40x128xi32, #tpu.memory_space<vmem>>) target_semaphore(%run_scoped3A : memref<!tpu.dma_semaphore, #tpu.memory_space<semaphore_mem>>)
      %dma_wait3A = arith.constant 0 : i32
      %dma_wait3A_31 = tpu.memref_slice %arg4[%add3A_12, %dma_wait3A] : memref<2560x128xi32, #tpu.memory_space<hbm>> -> memref<40x128xi32, #tpu.memory_space<hbm>>
      %dma_wait3A_32 = arith.constant 0 : i32
      %dma_wait3A_33 = tpu.memref_slice %arg4[%add3A_12, %dma_wait3A_32] : memref<2560x128xi32, #tpu.memory_space<hbm>> -> memref<40x128xi32, #tpu.memory_space<hbm>>
      tpu.wait_dma2 semaphore(%run_scoped3A : memref<!tpu.dma_semaphore, #tpu.memory_space<semaphore_mem>>) src(%dma_wait3A_33 : memref<40x128xi32, #tpu.memory_space<hbm>>) dst(%arg8 : memref<40x128xi32, #tpu.memory_space<vmem>>)
      tpu.yield
    }) : () -> ()
    %scan3A = arith.constant 0 : i32
    %scan3A_13 = arith.constant 0 : i32
    %scan3A_14 = arith.constant 20 : i32
    %scan3A_15 = arith.addi %scan3A_13, %scan3A_14 : i32
    %scan3A_16 = arith.constant 1 : i32
    scf.for %scan3A_27 = %scan3A_13 to %scan3A_15 step %scan3A_16  : i32 {
      %mul3A_28 = arith.constant 2 : i32
      %mul3A_29 = arith.muli %mul3A_28, %scan3A_27 : i32
      %add3A_30 = arith.constant 0 : i32
      %add3A_31 = arith.addi %add3A_30, %mul3A_29 : i32
      %mul3A_32 = arith.constant 2 : i32
      %mul3A_33 = arith.muli %mul3A_32, %scan3A_27 : i32
      %add3A_34 = arith.constant 1 : i32
      %add3A_35 = arith.addi %add3A_31, %add3A_34 : i32
      %dma_start3A_36 = arith.constant 0 : i32
      %dma_start3A_37 = tpu.memref_slice %arg7[%add3A_35, %dma_start3A_36] : memref<80x128xi32, #tpu.memory_space<vmem>> -> memref<1x128xi32, #tpu.memory_space<vmem>>
      %dma_start3A_38 = tpu.memref_squeeze %dma_start3A_37 : memref<1x128xi32, #tpu.memory_space<vmem>> -> memref<128xi32, #tpu.memory_space<vmem>>
      %dma_start3A_39 = arith.constant 0 : i32
      %dma_start3A_40 = arith.constant 0 : i32
      %dma_start3A_41 = tpu.memref_slice %arg2[%dma_start3A_39, %dma_start3A_40] : memref<10112x128xf32, #tpu.memory_space<hbm>> -> memref<10112x128xf32, #tpu.memory_space<hbm>>
      tpu.enqueue_indirect_dma source(%dma_start3A_41 : memref<10112x128xf32, #tpu.memory_space<hbm>>) target(%arg10 : memref<128x128xf32, #tpu.memory_space<vmem>>) offsets(%dma_start3A_38 : memref<128xi32, #tpu.memory_space<vmem>>) semaphore(%arg13 : memref<!tpu.dma_semaphore, #tpu.memory_space<semaphore_mem>>)
      %dma_wait3A = arith.constant 0 : i32
      %dma_wait3A_42 = tpu.memref_slice %arg7[%add3A_31, %dma_wait3A] : memref<80x128xi32, #tpu.memory_space<vmem>> -> memref<1x128xi32, #tpu.memory_space<vmem>>
      %dma_wait3A_43 = tpu.memref_squeeze %dma_wait3A_42 : memref<1x128xi32, #tpu.memory_space<vmem>> -> memref<128xi32, #tpu.memory_space<vmem>>
      %dma_wait3A_44 = arith.constant 0 : i32
      %dma_wait3A_45 = arith.constant 0 : i32
      %dma_wait3A_46 = tpu.memref_slice %arg2[%dma_wait3A_44, %dma_wait3A_45] : memref<10112x128xf32, #tpu.memory_space<hbm>> -> memref<10112x128xf32, #tpu.memory_space<hbm>>
      tpu.wait_indirect_dma semaphore(%arg12 : memref<!tpu.dma_semaphore, #tpu.memory_space<semaphore_mem>>) src(%dma_wait3A_46 : memref<10112x128xf32, #tpu.memory_space<hbm>>) dst(%arg9 : memref<128x128xf32, #tpu.memory_space<vmem>>)
      "tpu.region"() ({
        %run_scoped3A = tpu.sem_alloc : memref<!tpu.dma_semaphore, #tpu.memory_space<semaphore_mem>>
        %dma_start3A_61 = arith.constant 0 : i32
        %dma_start3A_62 = tpu.memref_slice %arg8[%mul3A_33, %dma_start3A_61] : memref<40x128xi32, #tpu.memory_space<vmem>> -> memref<1x128xi32, #tpu.memory_space<vmem>>
        %dma_start3A_63 = tpu.memref_squeeze %dma_start3A_62 : memref<1x128xi32, #tpu.memory_space<vmem>> -> memref<128xi32, #tpu.memory_space<vmem>>
        %dma_start3A_64 = arith.constant 0 : i32
        %dma_start3A_65 = arith.constant 0 : i32
        %dma_start3A_66 = tpu.memref_slice %arg11[%dma_start3A_64, %dma_start3A_65] : memref<10112x128xf32, #tpu.memory_space<vmem_shared>> -> memref<10112x128xf32, #tpu.memory_space<vmem_shared>>
        tpu.enqueue_indirect_dma source(%arg9 : memref<128x128xf32, #tpu.memory_space<vmem>>) target(%dma_start3A_66 : memref<10112x128xf32, #tpu.memory_space<vmem_shared>>) offsets(%dma_start3A_63 : memref<128xi32, #tpu.memory_space<vmem>>) semaphore(%run_scoped3A : memref<!tpu.dma_semaphore, #tpu.memory_space<semaphore_mem>>) {add = true}
        %dma_wait3A_67 = arith.constant 0 : i32
        %dma_wait3A_68 = tpu.memref_slice %arg8[%mul3A_33, %dma_wait3A_67] : memref<40x128xi32, #tpu.memory_space<vmem>> -> memref<1x128xi32, #tpu.memory_space<vmem>>
        %dma_wait3A_69 = tpu.memref_squeeze %dma_wait3A_68 : memref<1x128xi32, #tpu.memory_space<vmem>> -> memref<128xi32, #tpu.memory_space<vmem>>
        %dma_wait3A_70 = arith.constant 0 : i32
        %dma_wait3A_71 = arith.constant 0 : i32
        %dma_wait3A_72 = tpu.memref_slice %arg11[%dma_wait3A_70, %dma_wait3A_71] : memref<10112x128xf32, #tpu.memory_space<vmem_shared>> -> memref<10112x128xf32, #tpu.memory_space<vmem_shared>>
        tpu.wait_indirect_dma semaphore(%run_scoped3A : memref<!tpu.dma_semaphore, #tpu.memory_space<semaphore_mem>>) src(%arg9 : memref<128x128xf32, #tpu.memory_space<vmem>>) dst(%dma_wait3A_72 : memref<10112x128xf32, #tpu.memory_space<vmem_shared>>)
        tpu.yield
      }) : () -> ()
      %add3A_47 = arith.constant 2 : i32
      %add3A_48 = arith.addi %add3A_31, %add3A_47 : i32
      %lt3A = arith.constant 80 : i32
      %lt3A_49 = arith.cmpi slt, %add3A_48, %lt3A : i32
      %convert_element_type3A = arith.extui %lt3A_49 : i1 to i32
      %cond3A = arith.constant 0 : i32
      %cond3A_50 = arith.cmpi ne, %convert_element_type3A, %cond3A : i32
      scf.if %cond3A_50 {
        %add3A_61 = arith.constant 2 : i32
        %add3A_62 = arith.addi %add3A_31, %add3A_61 : i32
        %dma_start3A_63 = arith.constant 0 : i32
        %dma_start3A_64 = tpu.memref_slice %arg7[%add3A_62, %dma_start3A_63] : memref<80x128xi32, #tpu.memory_space<vmem>> -> memref<1x128xi32, #tpu.memory_space<vmem>>
        %dma_start3A_65 = tpu.memref_squeeze %dma_start3A_64 : memref<1x128xi32, #tpu.memory_space<vmem>> -> memref<128xi32, #tpu.memory_space<vmem>>
        %dma_start3A_66 = arith.constant 0 : i32
        %dma_start3A_67 = arith.constant 0 : i32
        %dma_start3A_68 = tpu.memref_slice %arg2[%dma_start3A_66, %dma_start3A_67] : memref<10112x128xf32, #tpu.memory_space<hbm>> -> memref<10112x128xf32, #tpu.memory_space<hbm>>
        tpu.enqueue_indirect_dma source(%dma_start3A_68 : memref<10112x128xf32, #tpu.memory_space<hbm>>) target(%arg9 : memref<128x128xf32, #tpu.memory_space<vmem>>) offsets(%dma_start3A_65 : memref<128xi32, #tpu.memory_space<vmem>>) semaphore(%arg12 : memref<!tpu.dma_semaphore, #tpu.memory_space<semaphore_mem>>)
      } else {
      }
      %add3A_51 = arith.constant 1 : i32
      %add3A_52 = arith.addi %add3A_31, %add3A_51 : i32
      %dma_wait3A_53 = arith.constant 0 : i32
      %dma_wait3A_54 = tpu.memref_slice %arg7[%add3A_52, %dma_wait3A_53] : memref<80x128xi32, #tpu.memory_space<vmem>> -> memref<1x128xi32, #tpu.memory_space<vmem>>
      %dma_wait3A_55 = tpu.memref_squeeze %dma_wait3A_54 : memref<1x128xi32, #tpu.memory_space<vmem>> -> memref<128xi32, #tpu.memory_space<vmem>>
      %dma_wait3A_56 = arith.constant 0 : i32
      %dma_wait3A_57 = arith.constant 0 : i32
      %dma_wait3A_58 = tpu.memref_slice %arg2[%dma_wait3A_56, %dma_wait3A_57] : memref<10112x128xf32, #tpu.memory_space<hbm>> -> memref<10112x128xf32, #tpu.memory_space<hbm>>
      tpu.wait_indirect_dma semaphore(%arg13 : memref<!tpu.dma_semaphore, #tpu.memory_space<semaphore_mem>>) src(%dma_wait3A_58 : memref<10112x128xf32, #tpu.memory_space<hbm>>) dst(%arg10 : memref<128x128xf32, #tpu.memory_space<vmem>>)
      %add3A_59 = arith.constant 1 : i32
      %add3A_60 = arith.addi %mul3A_33, %add3A_59 : i32
      "tpu.region"() ({
        %run_scoped3A = tpu.sem_alloc : memref<!tpu.dma_semaphore, #tpu.memory_space<semaphore_mem>>
        %dma_start3A_61 = arith.constant 0 : i32
        %dma_start3A_62 = tpu.memref_slice %arg8[%add3A_60, %dma_start3A_61] : memref<40x128xi32, #tpu.memory_space<vmem>> -> memref<1x128xi32, #tpu.memory_space<vmem>>
        %dma_start3A_63 = tpu.memref_squeeze %dma_start3A_62 : memref<1x128xi32, #tpu.memory_space<vmem>> -> memref<128xi32, #tpu.memory_space<vmem>>
        %dma_start3A_64 = arith.constant 0 : i32
        %dma_start3A_65 = arith.constant 0 : i32
        %dma_start3A_66 = tpu.memref_slice %arg11[%dma_start3A_64, %dma_start3A_65] : memref<10112x128xf32, #tpu.memory_space<vmem_shared>> -> memref<10112x128xf32, #tpu.memory_space<vmem_shared>>
        tpu.enqueue_indirect_dma source(%arg10 : memref<128x128xf32, #tpu.memory_space<vmem>>) target(%dma_start3A_66 : memref<10112x128xf32, #tpu.memory_space<vmem_shared>>) offsets(%dma_start3A_63 : memref<128xi32, #tpu.memory_space<vmem>>) semaphore(%run_scoped3A : memref<!tpu.dma_semaphore, #tpu.memory_space<semaphore_mem>>) {add = true}
        %dma_wait3A_67 = arith.constant 0 : i32
        %dma_wait3A_68 = tpu.memref_slice %arg8[%add3A_60, %dma_wait3A_67] : memref<40x128xi32, #tpu.memory_space<vmem>> -> memref<1x128xi32, #tpu.memory_space<vmem>>
        %dma_wait3A_69 = tpu.memref_squeeze %dma_wait3A_68 : memref<1x128xi32, #tpu.memory_space<vmem>> -> memref<128xi32, #tpu.memory_space<vmem>>
        %dma_wait3A_70 = arith.constant 0 : i32
        %dma_wait3A_71 = arith.constant 0 : i32
        %dma_wait3A_72 = tpu.memref_slice %arg11[%dma_wait3A_70, %dma_wait3A_71] : memref<10112x128xf32, #tpu.memory_space<vmem_shared>> -> memref<10112x128xf32, #tpu.memory_space<vmem_shared>>
        tpu.wait_indirect_dma semaphore(%run_scoped3A : memref<!tpu.dma_semaphore, #tpu.memory_space<semaphore_mem>>) src(%arg10 : memref<128x128xf32, #tpu.memory_space<vmem>>) dst(%dma_wait3A_72 : memref<10112x128xf32, #tpu.memory_space<vmem_shared>>)
        tpu.yield
      }) : () -> ()
    }
    %scan3A_17 = arith.constant 20 : i32
    %add3A_18 = arith.constant 40 : i32
    %add3A_19 = arith.addi %mul3A_2, %add3A_18 : i32
    "tpu.region"() ({
      %run_scoped3A = tpu.sem_alloc : memref<!tpu.dma_semaphore, #tpu.memory_space<semaphore_mem>>
      %dma_start3A_27 = arith.constant 0 : i32
      %dma_start3A_28 = tpu.memref_slice %arg4[%add3A_19, %dma_start3A_27] : memref<2560x128xi32, #tpu.memory_space<hbm>> -> memref<40x128xi32, #tpu.memory_space<hbm>>
      %dma_start3A_29 = arith.constant 0 : i32
      %dma_start3A_30 = tpu.memref_slice %arg4[%add3A_19, %dma_start3A_29] : memref<2560x128xi32, #tpu.memory_space<hbm>> -> memref<40x128xi32, #tpu.memory_space<hbm>>
      tpu.enqueue_dma source(%dma_start3A_30 : memref<40x128xi32, #tpu.memory_space<hbm>>) target(%arg8 : memref<40x128xi32, #tpu.memory_space<vmem>>) target_semaphore(%run_scoped3A : memref<!tpu.dma_semaphore, #tpu.memory_space<semaphore_mem>>)
      %dma_wait3A = arith.constant 0 : i32
      %dma_wait3A_31 = tpu.memref_slice %arg4[%add3A_19, %dma_wait3A] : memref<2560x128xi32, #tpu.memory_space<hbm>> -> memref<40x128xi32, #tpu.memory_space<hbm>>
      %dma_wait3A_32 = arith.constant 0 : i32
      %dma_wait3A_33 = tpu.memref_slice %arg4[%add3A_19, %dma_wait3A_32] : memref<2560x128xi32, #tpu.memory_space<hbm>> -> memref<40x128xi32, #tpu.memory_space<hbm>>
      tpu.wait_dma2 semaphore(%run_scoped3A : memref<!tpu.dma_semaphore, #tpu.memory_space<semaphore_mem>>) src(%dma_wait3A_33 : memref<40x128xi32, #tpu.memory_space<hbm>>) dst(%arg8 : memref<40x128xi32, #tpu.memory_space<vmem>>)
      tpu.yield
    }) : () -> ()
    %scan3A_20 = arith.constant 0 : i32
    %scan3A_21 = arith.constant 0 : i32
    %scan3A_22 = arith.constant 20 : i32
    %scan3A_23 = arith.addi %scan3A_21, %scan3A_22 : i32
    %scan3A_24 = arith.constant 1 : i32
    scf.for %scan3A_27 = %scan3A_21 to %scan3A_23 step %scan3A_24  : i32 {
      %mul3A_28 = arith.constant 2 : i32
      %mul3A_29 = arith.muli %mul3A_28, %scan3A_27 : i32
      %add3A_30 = arith.constant 40 : i32
      %add3A_31 = arith.addi %add3A_30, %mul3A_29 : i32
      %mul3A_32 = arith.constant 2 : i32
      %mul3A_33 = arith.muli %mul3A_32, %scan3A_27 : i32
      %add3A_34 = arith.constant 1 : i32
      %add3A_35 = arith.addi %add3A_31, %add3A_34 : i32
      %dma_start3A_36 = arith.constant 0 : i32
      %dma_start3A_37 = tpu.memref_slice %arg7[%add3A_35, %dma_start3A_36] : memref<80x128xi32, #tpu.memory_space<vmem>> -> memref<1x128xi32, #tpu.memory_space<vmem>>
      %dma_start3A_38 = tpu.memref_squeeze %dma_start3A_37 : memref<1x128xi32, #tpu.memory_space<vmem>> -> memref<128xi32, #tpu.memory_space<vmem>>
      %dma_start3A_39 = arith.constant 0 : i32
      %dma_start3A_40 = arith.constant 0 : i32
      %dma_start3A_41 = tpu.memref_slice %arg2[%dma_start3A_39, %dma_start3A_40] : memref<10112x128xf32, #tpu.memory_space<hbm>> -> memref<10112x128xf32, #tpu.memory_space<hbm>>
      tpu.enqueue_indirect_dma source(%dma_start3A_41 : memref<10112x128xf32, #tpu.memory_space<hbm>>) target(%arg10 : memref<128x128xf32, #tpu.memory_space<vmem>>) offsets(%dma_start3A_38 : memref<128xi32, #tpu.memory_space<vmem>>) semaphore(%arg13 : memref<!tpu.dma_semaphore, #tpu.memory_space<semaphore_mem>>)
      %dma_wait3A = arith.constant 0 : i32
      %dma_wait3A_42 = tpu.memref_slice %arg7[%add3A_31, %dma_wait3A] : memref<80x128xi32, #tpu.memory_space<vmem>> -> memref<1x128xi32, #tpu.memory_space<vmem>>
      %dma_wait3A_43 = tpu.memref_squeeze %dma_wait3A_42 : memref<1x128xi32, #tpu.memory_space<vmem>> -> memref<128xi32, #tpu.memory_space<vmem>>
      %dma_wait3A_44 = arith.constant 0 : i32
      %dma_wait3A_45 = arith.constant 0 : i32
      %dma_wait3A_46 = tpu.memref_slice %arg2[%dma_wait3A_44, %dma_wait3A_45] : memref<10112x128xf32, #tpu.memory_space<hbm>> -> memref<10112x128xf32, #tpu.memory_space<hbm>>
      tpu.wait_indirect_dma semaphore(%arg12 : memref<!tpu.dma_semaphore, #tpu.memory_space<semaphore_mem>>) src(%dma_wait3A_46 : memref<10112x128xf32, #tpu.memory_space<hbm>>) dst(%arg9 : memref<128x128xf32, #tpu.memory_space<vmem>>)
      "tpu.region"() ({
        %run_scoped3A = tpu.sem_alloc : memref<!tpu.dma_semaphore, #tpu.memory_space<semaphore_mem>>
        %dma_start3A_61 = arith.constant 0 : i32
        %dma_start3A_62 = tpu.memref_slice %arg8[%mul3A_33, %dma_start3A_61] : memref<40x128xi32, #tpu.memory_space<vmem>> -> memref<1x128xi32, #tpu.memory_space<vmem>>
        %dma_start3A_63 = tpu.memref_squeeze %dma_start3A_62 : memref<1x128xi32, #tpu.memory_space<vmem>> -> memref<128xi32, #tpu.memory_space<vmem>>
        %dma_start3A_64 = arith.constant 0 : i32
        %dma_start3A_65 = arith.constant 0 : i32
        %dma_start3A_66 = tpu.memref_slice %arg11[%dma_start3A_64, %dma_start3A_65] : memref<10112x128xf32, #tpu.memory_space<vmem_shared>> -> memref<10112x128xf32, #tpu.memory_space<vmem_shared>>
        tpu.enqueue_indirect_dma source(%arg9 : memref<128x128xf32, #tpu.memory_space<vmem>>) target(%dma_start3A_66 : memref<10112x128xf32, #tpu.memory_space<vmem_shared>>) offsets(%dma_start3A_63 : memref<128xi32, #tpu.memory_space<vmem>>) semaphore(%run_scoped3A : memref<!tpu.dma_semaphore, #tpu.memory_space<semaphore_mem>>) {add = true}
        %dma_wait3A_67 = arith.constant 0 : i32
        %dma_wait3A_68 = tpu.memref_slice %arg8[%mul3A_33, %dma_wait3A_67] : memref<40x128xi32, #tpu.memory_space<vmem>> -> memref<1x128xi32, #tpu.memory_space<vmem>>
        %dma_wait3A_69 = tpu.memref_squeeze %dma_wait3A_68 : memref<1x128xi32, #tpu.memory_space<vmem>> -> memref<128xi32, #tpu.memory_space<vmem>>
        %dma_wait3A_70 = arith.constant 0 : i32
        %dma_wait3A_71 = arith.constant 0 : i32
        %dma_wait3A_72 = tpu.memref_slice %arg11[%dma_wait3A_70, %dma_wait3A_71] : memref<10112x128xf32, #tpu.memory_space<vmem_shared>> -> memref<10112x128xf32, #tpu.memory_space<vmem_shared>>
        tpu.wait_indirect_dma semaphore(%run_scoped3A : memref<!tpu.dma_semaphore, #tpu.memory_space<semaphore_mem>>) src(%arg9 : memref<128x128xf32, #tpu.memory_space<vmem>>) dst(%dma_wait3A_72 : memref<10112x128xf32, #tpu.memory_space<vmem_shared>>)
        tpu.yield
      }) : () -> ()
      %add3A_47 = arith.constant 2 : i32
      %add3A_48 = arith.addi %add3A_31, %add3A_47 : i32
      %lt3A = arith.constant 80 : i32
      %lt3A_49 = arith.cmpi slt, %add3A_48, %lt3A : i32
      %convert_element_type3A = arith.extui %lt3A_49 : i1 to i32
      %cond3A = arith.constant 0 : i32
      %cond3A_50 = arith.cmpi ne, %convert_element_type3A, %cond3A : i32
      scf.if %cond3A_50 {
        %add3A_61 = arith.constant 2 : i32
        %add3A_62 = arith.addi %add3A_31, %add3A_61 : i32
        %dma_start3A_63 = arith.constant 0 : i32
        %dma_start3A_64 = tpu.memref_slice %arg7[%add3A_62, %dma_start3A_63] : memref<80x128xi32, #tpu.memory_space<vmem>> -> memref<1x128xi32, #tpu.memory_space<vmem>>
        %dma_start3A_65 = tpu.memref_squeeze %dma_start3A_64 : memref<1x128xi32, #tpu.memory_space<vmem>> -> memref<128xi32, #tpu.memory_space<vmem>>
        %dma_start3A_66 = arith.constant 0 : i32
        %dma_start3A_67 = arith.constant 0 : i32
        %dma_start3A_68 = tpu.memref_slice %arg2[%dma_start3A_66, %dma_start3A_67] : memref<10112x128xf32, #tpu.memory_space<hbm>> -> memref<10112x128xf32, #tpu.memory_space<hbm>>
        tpu.enqueue_indirect_dma source(%dma_start3A_68 : memref<10112x128xf32, #tpu.memory_space<hbm>>) target(%arg9 : memref<128x128xf32, #tpu.memory_space<vmem>>) offsets(%dma_start3A_65 : memref<128xi32, #tpu.memory_space<vmem>>) semaphore(%arg12 : memref<!tpu.dma_semaphore, #tpu.memory_space<semaphore_mem>>)
      } else {
      }
      %add3A_51 = arith.constant 1 : i32
      %add3A_52 = arith.addi %add3A_31, %add3A_51 : i32
      %dma_wait3A_53 = arith.constant 0 : i32
      %dma_wait3A_54 = tpu.memref_slice %arg7[%add3A_52, %dma_wait3A_53] : memref<80x128xi32, #tpu.memory_space<vmem>> -> memref<1x128xi32, #tpu.memory_space<vmem>>
      %dma_wait3A_55 = tpu.memref_squeeze %dma_wait3A_54 : memref<1x128xi32, #tpu.memory_space<vmem>> -> memref<128xi32, #tpu.memory_space<vmem>>
      %dma_wait3A_56 = arith.constant 0 : i32
      %dma_wait3A_57 = arith.constant 0 : i32
      %dma_wait3A_58 = tpu.memref_slice %arg2[%dma_wait3A_56, %dma_wait3A_57] : memref<10112x128xf32, #tpu.memory_space<hbm>> -> memref<10112x128xf32, #tpu.memory_space<hbm>>
      tpu.wait_indirect_dma semaphore(%arg13 : memref<!tpu.dma_semaphore, #tpu.memory_space<semaphore_mem>>) src(%dma_wait3A_58 : memref<10112x128xf32, #tpu.memory_space<hbm>>) dst(%arg10 : memref<128x128xf32, #tpu.memory_space<vmem>>)
      %add3A_59 = arith.constant 1 : i32
      %add3A_60 = arith.addi %mul3A_33, %add3A_59 : i32
      "tpu.region"() ({
        %run_scoped3A = tpu.sem_alloc : memref<!tpu.dma_semaphore, #tpu.memory_space<semaphore_mem>>
        %dma_start3A_61 = arith.constant 0 : i32
        %dma_start3A_62 = tpu.memref_slice %arg8[%add3A_60, %dma_start3A_61] : memref<40x128xi32, #tpu.memory_space<vmem>> -> memref<1x128xi32, #tpu.memory_space<vmem>>
        %dma_start3A_63 = tpu.memref_squeeze %dma_start3A_62 : memref<1x128xi32, #tpu.memory_space<vmem>> -> memref<128xi32, #tpu.memory_space<vmem>>
        %dma_start3A_64 = arith.constant 0 : i32
        %dma_start3A_65 = arith.constant 0 : i32
        %dma_start3A_66 = tpu.memref_slice %arg11[%dma_start3A_64, %dma_start3A_65] : memref<10112x128xf32, #tpu.memory_space<vmem_shared>> -> memref<10112x128xf32, #tpu.memory_space<vmem_shared>>
        tpu.enqueue_indirect_dma source(%arg10 : memref<128x128xf32, #tpu.memory_space<vmem>>) target(%dma_start3A_66 : memref<10112x128xf32, #tpu.memory_space<vmem_shared>>) offsets(%dma_start3A_63 : memref<128xi32, #tpu.memory_space<vmem>>) semaphore(%run_scoped3A : memref<!tpu.dma_semaphore, #tpu.memory_space<semaphore_mem>>) {add = true}
        %dma_wait3A_67 = arith.constant 0 : i32
        %dma_wait3A_68 = tpu.memref_slice %arg8[%add3A_60, %dma_wait3A_67] : memref<40x128xi32, #tpu.memory_space<vmem>> -> memref<1x128xi32, #tpu.memory_space<vmem>>
        %dma_wait3A_69 = tpu.memref_squeeze %dma_wait3A_68 : memref<1x128xi32, #tpu.memory_space<vmem>> -> memref<128xi32, #tpu.memory_space<vmem>>
        %dma_wait3A_70 = arith.constant 0 : i32
        %dma_wait3A_71 = arith.constant 0 : i32
        %dma_wait3A_72 = tpu.memref_slice %arg11[%dma_wait3A_70, %dma_wait3A_71] : memref<10112x128xf32, #tpu.memory_space<vmem_shared>> -> memref<10112x128xf32, #tpu.memory_space<vmem_shared>>
        tpu.wait_indirect_dma semaphore(%run_scoped3A : memref<!tpu.dma_semaphore, #tpu.memory_space<semaphore_mem>>) src(%arg10 : memref<128x128xf32, #tpu.memory_space<vmem>>) dst(%dma_wait3A_72 : memref<10112x128xf32, #tpu.memory_space<vmem_shared>>)
        tpu.yield
      }) : () -> ()
    }
    %scan3A_25 = arith.constant 20 : i32
    %barrier3A_26 = arith.constant 0 : index
    tpu.barrier barrier_id(%barrier3A_26)
    "tpu.region"() ({
      %run_scoped3A = tpu.sem_alloc : memref<!tpu.dma_semaphore, #tpu.memory_space<semaphore_mem>>
      %dma_start3A_27 = arith.constant 0 : i32
      %dma_start3A_28 = tpu.memref_slice %arg6[%arg0, %mul3A_4, %dma_start3A_27] : memref<2x10112x128xf32, #tpu.memory_space<hbm>> -> memref<1x632x128xf32, #tpu.memory_space<hbm>>
      %dma_start3A_29 = tpu.memref_squeeze %dma_start3A_28 : memref<1x632x128xf32, #tpu.memory_space<hbm>> -> memref<632x128xf32, #tpu.memory_space<hbm>>
      %dma_start3A_30 = arith.constant 0 : i32
      %dma_start3A_31 = tpu.memref_slice %arg11[%mul3A_4, %dma_start3A_30] : memref<10112x128xf32, #tpu.memory_space<vmem_shared>> -> memref<632x128xf32, #tpu.memory_space<vmem_shared>>
      tpu.enqueue_dma source(%dma_start3A_31 : memref<632x128xf32, #tpu.memory_space<vmem_shared>>) target(%dma_start3A_29 : memref<632x128xf32, #tpu.memory_space<hbm>>) target_semaphore(%run_scoped3A : memref<!tpu.dma_semaphore, #tpu.memory_space<semaphore_mem>>)
      %dma_wait3A = arith.constant 0 : i32
      %dma_wait3A_32 = tpu.memref_slice %arg6[%arg0, %mul3A_4, %dma_wait3A] : memref<2x10112x128xf32, #tpu.memory_space<hbm>> -> memref<1x632x128xf32, #tpu.memory_space<hbm>>
      %dma_wait3A_33 = tpu.memref_squeeze %dma_wait3A_32 : memref<1x632x128xf32, #tpu.memory_space<hbm>> -> memref<632x128xf32, #tpu.memory_space<hbm>>
      %dma_wait3A_34 = arith.constant 0 : i32
      %dma_wait3A_35 = tpu.memref_slice %arg11[%mul3A_4, %dma_wait3A_34] : memref<10112x128xf32, #tpu.memory_space<vmem_shared>> -> memref<632x128xf32, #tpu.memory_space<vmem_shared>>
      tpu.wait_dma2 semaphore(%run_scoped3A : memref<!tpu.dma_semaphore, #tpu.memory_space<semaphore_mem>>) src(%dma_wait3A_35 : memref<632x128xf32, #tpu.memory_space<vmem_shared>>) dst(%dma_wait3A_33 : memref<632x128xf32, #tpu.memory_space<hbm>>)
      tpu.yield
    }) : () -> ()
    return
  }
}

#map = affine_map<(d0, d1) -> (0, 0)>
#map1 = affine_map<(d0, d1) -> (0, 0, 0)>
module attributes {stable_mosaic.version = 14 : i64} {
  func.func @_sc_body(%arg0: i32, %arg1: i32, %arg2: memref<10000x128xf32, #tpu.memory_space<hbm>>, %arg3: memref<2560x128xi32, #tpu.memory_space<hbm>>, %arg4: memref<2560x128xi32, #tpu.memory_space<hbm>>, %arg5: memref<10112x128xf32, #tpu.memory_space<hbm>>, %arg6: memref<2x10112x128xf32, #tpu.memory_space<hbm>>, %arg7: memref<80x128xi32, #tpu.memory_space<vmem>>, %arg8: memref<40x128xi32, #tpu.memory_space<vmem>>, %arg9: memref<128x128xf32, #tpu.memory_space<vmem>>, %arg10: memref<128x128xf32, #tpu.memory_space<vmem>>, %arg11: memref<10112x128xf32, #tpu.memory_space<vmem_shared>>, %arg12: memref<!tpu.dma_semaphore, #tpu.memory_space<semaphore_mem>>, %arg13: memref<!tpu.dma_semaphore, #tpu.memory_space<semaphore_mem>>) attributes {dimension_semantics = [#tpu.dimension_semantics<core_parallel>, #tpu.dimension_semantics<subcore_parallel>], iteration_bounds = array<i64: 2, 16>, scalar_prefetch = 0 : i64, scratch_operands = 7 : i64, tpu.core_type = #tpu.core_type<sc_vector_subcore>, window_params = [{transform_indices = #map}, {transform_indices = #map}, {transform_indices = #map}, {transform_indices = #map}, {transform_indices = #map1}]} {
    %mul3A = arith.constant 16 : i32
    %mul3A_0 = arith.muli %arg0, %mul3A : i32
    %add3A = arith.addi %mul3A_0, %arg1 : i32
    %mul3A_1 = arith.constant 80 : i32
    %mul3A_2 = arith.muli %add3A, %mul3A_1 : i32
    "tpu.region"() ({
      %run_scoped3A = tpu.sem_alloc : memref<!tpu.dma_semaphore, #tpu.memory_space<semaphore_mem>>
      %dma_start3A_27 = arith.constant 0 : i32
      %dma_start3A_28 = tpu.memref_slice %arg3[%mul3A_2, %dma_start3A_27] : memref<2560x128xi32, #tpu.memory_space<hbm>> -> memref<80x128xi32, #tpu.memory_space<hbm>>
      %dma_start3A_29 = arith.constant 0 : i32
      %dma_start3A_30 = tpu.memref_slice %arg3[%mul3A_2, %dma_start3A_29] : memref<2560x128xi32, #tpu.memory_space<hbm>> -> memref<80x128xi32, #tpu.memory_space<hbm>>
      tpu.enqueue_dma source(%dma_start3A_30 : memref<80x128xi32, #tpu.memory_space<hbm>>) target(%arg7 : memref<80x128xi32, #tpu.memory_space<vmem>>) target_semaphore(%run_scoped3A : memref<!tpu.dma_semaphore, #tpu.memory_space<semaphore_mem>>)
      %dma_wait3A = arith.constant 0 : i32
      %dma_wait3A_31 = tpu.memref_slice %arg3[%mul3A_2, %dma_wait3A] : memref<2560x128xi32, #tpu.memory_space<hbm>> -> memref<80x128xi32, #tpu.memory_space<hbm>>
      %dma_wait3A_32 = arith.constant 0 : i32
      %dma_wait3A_33 = tpu.memref_slice %arg3[%mul3A_2, %dma_wait3A_32] : memref<2560x128xi32, #tpu.memory_space<hbm>> -> memref<80x128xi32, #tpu.memory_space<hbm>>
      tpu.wait_dma2 semaphore(%run_scoped3A : memref<!tpu.dma_semaphore, #tpu.memory_space<semaphore_mem>>) src(%dma_wait3A_33 : memref<80x128xi32, #tpu.memory_space<hbm>>) dst(%arg7 : memref<80x128xi32, #tpu.memory_space<vmem>>)
      tpu.yield
    }) : () -> ()
    %mul3A_3 = arith.constant 632 : i32
    %mul3A_4 = arith.muli %arg1, %mul3A_3 : i32
    "tpu.region"() ({
      %run_scoped3A = tpu.sem_alloc : memref<!tpu.dma_semaphore, #tpu.memory_space<semaphore_mem>>
      %dma_start3A_27 = arith.constant 0 : i32
      %dma_start3A_28 = tpu.memref_slice %arg11[%mul3A_4, %dma_start3A_27] : memref<10112x128xf32, #tpu.memory_space<vmem_shared>> -> memref<632x128xf32, #tpu.memory_space<vmem_shared>>
      %dma_start3A_29 = arith.constant 0 : i32
      %dma_start3A_30 = tpu.memref_slice %arg5[%mul3A_4, %dma_start3A_29] : memref<10112x128xf32, #tpu.memory_space<hbm>> -> memref<632x128xf32, #tpu.memory_space<hbm>>
      tpu.enqueue_dma source(%dma_start3A_30 : memref<632x128xf32, #tpu.memory_space<hbm>>) target(%dma_start3A_28 : memref<632x128xf32, #tpu.memory_space<vmem_shared>>) target_semaphore(%run_scoped3A : memref<!tpu.dma_semaphore, #tpu.memory_space<semaphore_mem>>)
      %dma_wait3A = arith.constant 0 : i32
      %dma_wait3A_31 = tpu.memref_slice %arg11[%mul3A_4, %dma_wait3A] : memref<10112x128xf32, #tpu.memory_space<vmem_shared>> -> memref<632x128xf32, #tpu.memory_space<vmem_shared>>
      %dma_wait3A_32 = arith.constant 0 : i32
      %dma_wait3A_33 = tpu.memref_slice %arg5[%mul3A_4, %dma_wait3A_32] : memref<10112x128xf32, #tpu.memory_space<hbm>> -> memref<632x128xf32, #tpu.memory_space<hbm>>
      tpu.wait_dma2 semaphore(%run_scoped3A : memref<!tpu.dma_semaphore, #tpu.memory_space<semaphore_mem>>) src(%dma_wait3A_33 : memref<632x128xf32, #tpu.memory_space<hbm>>) dst(%dma_wait3A_31 : memref<632x128xf32, #tpu.memory_space<vmem_shared>>)
      tpu.yield
    }) : () -> ()
    %dma_start3A = arith.constant 0 : i32
    %dma_start3A_5 = arith.constant 0 : i32
    %dma_start3A_6 = tpu.memref_slice %arg7[%dma_start3A, %dma_start3A_5] : memref<80x128xi32, #tpu.memory_space<vmem>> -> memref<1x128xi32, #tpu.memory_space<vmem>>
    %dma_start3A_7 = tpu.memref_squeeze %dma_start3A_6 : memref<1x128xi32, #tpu.memory_space<vmem>> -> memref<128xi32, #tpu.memory_space<vmem>>
    %dma_start3A_8 = arith.constant 0 : i32
    %dma_start3A_9 = arith.constant 0 : i32
    %dma_start3A_10 = tpu.memref_slice %arg2[%dma_start3A_8, %dma_start3A_9] : memref<10000x128xf32, #tpu.memory_space<hbm>> -> memref<10000x128xf32, #tpu.memory_space<hbm>>
    tpu.enqueue_indirect_dma source(%dma_start3A_10 : memref<10000x128xf32, #tpu.memory_space<hbm>>) target(%arg9 : memref<128x128xf32, #tpu.memory_space<vmem>>) offsets(%dma_start3A_7 : memref<128xi32, #tpu.memory_space<vmem>>) semaphore(%arg12 : memref<!tpu.dma_semaphore, #tpu.memory_space<semaphore_mem>>)
    %barrier3A = arith.constant 0 : index
    tpu.barrier barrier_id(%barrier3A)
    %add3A_11 = arith.constant 0 : i32
    %add3A_12 = arith.addi %mul3A_2, %add3A_11 : i32
    "tpu.region"() ({
      %run_scoped3A = tpu.sem_alloc : memref<!tpu.dma_semaphore, #tpu.memory_space<semaphore_mem>>
      %dma_start3A_27 = arith.constant 0 : i32
      %dma_start3A_28 = tpu.memref_slice %arg4[%add3A_12, %dma_start3A_27] : memref<2560x128xi32, #tpu.memory_space<hbm>> -> memref<40x128xi32, #tpu.memory_space<hbm>>
      %dma_start3A_29 = arith.constant 0 : i32
      %dma_start3A_30 = tpu.memref_slice %arg4[%add3A_12, %dma_start3A_29] : memref<2560x128xi32, #tpu.memory_space<hbm>> -> memref<40x128xi32, #tpu.memory_space<hbm>>
      tpu.enqueue_dma source(%dma_start3A_30 : memref<40x128xi32, #tpu.memory_space<hbm>>) target(%arg8 : memref<40x128xi32, #tpu.memory_space<vmem>>) target_semaphore(%run_scoped3A : memref<!tpu.dma_semaphore, #tpu.memory_space<semaphore_mem>>)
      %dma_wait3A = arith.constant 0 : i32
      %dma_wait3A_31 = tpu.memref_slice %arg4[%add3A_12, %dma_wait3A] : memref<2560x128xi32, #tpu.memory_space<hbm>> -> memref<40x128xi32, #tpu.memory_space<hbm>>
      %dma_wait3A_32 = arith.constant 0 : i32
      %dma_wait3A_33 = tpu.memref_slice %arg4[%add3A_12, %dma_wait3A_32] : memref<2560x128xi32, #tpu.memory_space<hbm>> -> memref<40x128xi32, #tpu.memory_space<hbm>>
      tpu.wait_dma2 semaphore(%run_scoped3A : memref<!tpu.dma_semaphore, #tpu.memory_space<semaphore_mem>>) src(%dma_wait3A_33 : memref<40x128xi32, #tpu.memory_space<hbm>>) dst(%arg8 : memref<40x128xi32, #tpu.memory_space<vmem>>)
      tpu.yield
    }) : () -> ()
    %scan3A = arith.constant 0 : i32
    %scan3A_13 = arith.constant 0 : i32
    %scan3A_14 = arith.constant 20 : i32
    %scan3A_15 = arith.addi %scan3A_13, %scan3A_14 : i32
    %scan3A_16 = arith.constant 1 : i32
    scf.for %scan3A_27 = %scan3A_13 to %scan3A_15 step %scan3A_16  : i32 {
      %mul3A_28 = arith.constant 2 : i32
      %mul3A_29 = arith.muli %mul3A_28, %scan3A_27 : i32
      %add3A_30 = arith.constant 0 : i32
      %add3A_31 = arith.addi %add3A_30, %mul3A_29 : i32
      %mul3A_32 = arith.constant 2 : i32
      %mul3A_33 = arith.muli %mul3A_32, %scan3A_27 : i32
      %add3A_34 = arith.constant 1 : i32
      %add3A_35 = arith.addi %add3A_31, %add3A_34 : i32
      %dma_start3A_36 = arith.constant 0 : i32
      %dma_start3A_37 = tpu.memref_slice %arg7[%add3A_35, %dma_start3A_36] : memref<80x128xi32, #tpu.memory_space<vmem>> -> memref<1x128xi32, #tpu.memory_space<vmem>>
      %dma_start3A_38 = tpu.memref_squeeze %dma_start3A_37 : memref<1x128xi32, #tpu.memory_space<vmem>> -> memref<128xi32, #tpu.memory_space<vmem>>
      %dma_start3A_39 = arith.constant 0 : i32
      %dma_start3A_40 = arith.constant 0 : i32
      %dma_start3A_41 = tpu.memref_slice %arg2[%dma_start3A_39, %dma_start3A_40] : memref<10000x128xf32, #tpu.memory_space<hbm>> -> memref<10000x128xf32, #tpu.memory_space<hbm>>
      tpu.enqueue_indirect_dma source(%dma_start3A_41 : memref<10000x128xf32, #tpu.memory_space<hbm>>) target(%arg10 : memref<128x128xf32, #tpu.memory_space<vmem>>) offsets(%dma_start3A_38 : memref<128xi32, #tpu.memory_space<vmem>>) semaphore(%arg13 : memref<!tpu.dma_semaphore, #tpu.memory_space<semaphore_mem>>)
      %dma_wait3A = arith.constant 0 : i32
      %dma_wait3A_42 = tpu.memref_slice %arg7[%add3A_31, %dma_wait3A] : memref<80x128xi32, #tpu.memory_space<vmem>> -> memref<1x128xi32, #tpu.memory_space<vmem>>
      %dma_wait3A_43 = tpu.memref_squeeze %dma_wait3A_42 : memref<1x128xi32, #tpu.memory_space<vmem>> -> memref<128xi32, #tpu.memory_space<vmem>>
      %dma_wait3A_44 = arith.constant 0 : i32
      %dma_wait3A_45 = arith.constant 0 : i32
      %dma_wait3A_46 = tpu.memref_slice %arg2[%dma_wait3A_44, %dma_wait3A_45] : memref<10000x128xf32, #tpu.memory_space<hbm>> -> memref<10000x128xf32, #tpu.memory_space<hbm>>
      tpu.wait_indirect_dma semaphore(%arg12 : memref<!tpu.dma_semaphore, #tpu.memory_space<semaphore_mem>>) src(%dma_wait3A_46 : memref<10000x128xf32, #tpu.memory_space<hbm>>) dst(%arg9 : memref<128x128xf32, #tpu.memory_space<vmem>>)
      "tpu.region"() ({
        %run_scoped3A = tpu.sem_alloc : memref<!tpu.dma_semaphore, #tpu.memory_space<semaphore_mem>>
        %dma_start3A_61 = arith.constant 0 : i32
        %dma_start3A_62 = tpu.memref_slice %arg8[%mul3A_33, %dma_start3A_61] : memref<40x128xi32, #tpu.memory_space<vmem>> -> memref<1x128xi32, #tpu.memory_space<vmem>>
        %dma_start3A_63 = tpu.memref_squeeze %dma_start3A_62 : memref<1x128xi32, #tpu.memory_space<vmem>> -> memref<128xi32, #tpu.memory_space<vmem>>
        %dma_start3A_64 = arith.constant 0 : i32
        %dma_start3A_65 = arith.constant 0 : i32
        %dma_start3A_66 = tpu.memref_slice %arg11[%dma_start3A_64, %dma_start3A_65] : memref<10112x128xf32, #tpu.memory_space<vmem_shared>> -> memref<10112x128xf32, #tpu.memory_space<vmem_shared>>
        tpu.enqueue_indirect_dma source(%arg9 : memref<128x128xf32, #tpu.memory_space<vmem>>) target(%dma_start3A_66 : memref<10112x128xf32, #tpu.memory_space<vmem_shared>>) offsets(%dma_start3A_63 : memref<128xi32, #tpu.memory_space<vmem>>) semaphore(%run_scoped3A : memref<!tpu.dma_semaphore, #tpu.memory_space<semaphore_mem>>) {add = true}
        %dma_wait3A_67 = arith.constant 0 : i32
        %dma_wait3A_68 = tpu.memref_slice %arg8[%mul3A_33, %dma_wait3A_67] : memref<40x128xi32, #tpu.memory_space<vmem>> -> memref<1x128xi32, #tpu.memory_space<vmem>>
        %dma_wait3A_69 = tpu.memref_squeeze %dma_wait3A_68 : memref<1x128xi32, #tpu.memory_space<vmem>> -> memref<128xi32, #tpu.memory_space<vmem>>
        %dma_wait3A_70 = arith.constant 0 : i32
        %dma_wait3A_71 = arith.constant 0 : i32
        %dma_wait3A_72 = tpu.memref_slice %arg11[%dma_wait3A_70, %dma_wait3A_71] : memref<10112x128xf32, #tpu.memory_space<vmem_shared>> -> memref<10112x128xf32, #tpu.memory_space<vmem_shared>>
        tpu.wait_indirect_dma semaphore(%run_scoped3A : memref<!tpu.dma_semaphore, #tpu.memory_space<semaphore_mem>>) src(%arg9 : memref<128x128xf32, #tpu.memory_space<vmem>>) dst(%dma_wait3A_72 : memref<10112x128xf32, #tpu.memory_space<vmem_shared>>)
        tpu.yield
      }) : () -> ()
      %add3A_47 = arith.constant 2 : i32
      %add3A_48 = arith.addi %add3A_31, %add3A_47 : i32
      %lt3A = arith.constant 80 : i32
      %lt3A_49 = arith.cmpi slt, %add3A_48, %lt3A : i32
      %convert_element_type3A = arith.extui %lt3A_49 : i1 to i32
      %cond3A = arith.constant 0 : i32
      %cond3A_50 = arith.cmpi ne, %convert_element_type3A, %cond3A : i32
      scf.if %cond3A_50 {
        %add3A_61 = arith.constant 2 : i32
        %add3A_62 = arith.addi %add3A_31, %add3A_61 : i32
        %dma_start3A_63 = arith.constant 0 : i32
        %dma_start3A_64 = tpu.memref_slice %arg7[%add3A_62, %dma_start3A_63] : memref<80x128xi32, #tpu.memory_space<vmem>> -> memref<1x128xi32, #tpu.memory_space<vmem>>
        %dma_start3A_65 = tpu.memref_squeeze %dma_start3A_64 : memref<1x128xi32, #tpu.memory_space<vmem>> -> memref<128xi32, #tpu.memory_space<vmem>>
        %dma_start3A_66 = arith.constant 0 : i32
        %dma_start3A_67 = arith.constant 0 : i32
        %dma_start3A_68 = tpu.memref_slice %arg2[%dma_start3A_66, %dma_start3A_67] : memref<10000x128xf32, #tpu.memory_space<hbm>> -> memref<10000x128xf32, #tpu.memory_space<hbm>>
        tpu.enqueue_indirect_dma source(%dma_start3A_68 : memref<10000x128xf32, #tpu.memory_space<hbm>>) target(%arg9 : memref<128x128xf32, #tpu.memory_space<vmem>>) offsets(%dma_start3A_65 : memref<128xi32, #tpu.memory_space<vmem>>) semaphore(%arg12 : memref<!tpu.dma_semaphore, #tpu.memory_space<semaphore_mem>>)
      } else {
      }
      %add3A_51 = arith.constant 1 : i32
      %add3A_52 = arith.addi %add3A_31, %add3A_51 : i32
      %dma_wait3A_53 = arith.constant 0 : i32
      %dma_wait3A_54 = tpu.memref_slice %arg7[%add3A_52, %dma_wait3A_53] : memref<80x128xi32, #tpu.memory_space<vmem>> -> memref<1x128xi32, #tpu.memory_space<vmem>>
      %dma_wait3A_55 = tpu.memref_squeeze %dma_wait3A_54 : memref<1x128xi32, #tpu.memory_space<vmem>> -> memref<128xi32, #tpu.memory_space<vmem>>
      %dma_wait3A_56 = arith.constant 0 : i32
      %dma_wait3A_57 = arith.constant 0 : i32
      %dma_wait3A_58 = tpu.memref_slice %arg2[%dma_wait3A_56, %dma_wait3A_57] : memref<10000x128xf32, #tpu.memory_space<hbm>> -> memref<10000x128xf32, #tpu.memory_space<hbm>>
      tpu.wait_indirect_dma semaphore(%arg13 : memref<!tpu.dma_semaphore, #tpu.memory_space<semaphore_mem>>) src(%dma_wait3A_58 : memref<10000x128xf32, #tpu.memory_space<hbm>>) dst(%arg10 : memref<128x128xf32, #tpu.memory_space<vmem>>)
      %add3A_59 = arith.constant 1 : i32
      %add3A_60 = arith.addi %mul3A_33, %add3A_59 : i32
      "tpu.region"() ({
        %run_scoped3A = tpu.sem_alloc : memref<!tpu.dma_semaphore, #tpu.memory_space<semaphore_mem>>
        %dma_start3A_61 = arith.constant 0 : i32
        %dma_start3A_62 = tpu.memref_slice %arg8[%add3A_60, %dma_start3A_61] : memref<40x128xi32, #tpu.memory_space<vmem>> -> memref<1x128xi32, #tpu.memory_space<vmem>>
        %dma_start3A_63 = tpu.memref_squeeze %dma_start3A_62 : memref<1x128xi32, #tpu.memory_space<vmem>> -> memref<128xi32, #tpu.memory_space<vmem>>
        %dma_start3A_64 = arith.constant 0 : i32
        %dma_start3A_65 = arith.constant 0 : i32
        %dma_start3A_66 = tpu.memref_slice %arg11[%dma_start3A_64, %dma_start3A_65] : memref<10112x128xf32, #tpu.memory_space<vmem_shared>> -> memref<10112x128xf32, #tpu.memory_space<vmem_shared>>
        tpu.enqueue_indirect_dma source(%arg10 : memref<128x128xf32, #tpu.memory_space<vmem>>) target(%dma_start3A_66 : memref<10112x128xf32, #tpu.memory_space<vmem_shared>>) offsets(%dma_start3A_63 : memref<128xi32, #tpu.memory_space<vmem>>) semaphore(%run_scoped3A : memref<!tpu.dma_semaphore, #tpu.memory_space<semaphore_mem>>) {add = true}
        %dma_wait3A_67 = arith.constant 0 : i32
        %dma_wait3A_68 = tpu.memref_slice %arg8[%add3A_60, %dma_wait3A_67] : memref<40x128xi32, #tpu.memory_space<vmem>> -> memref<1x128xi32, #tpu.memory_space<vmem>>
        %dma_wait3A_69 = tpu.memref_squeeze %dma_wait3A_68 : memref<1x128xi32, #tpu.memory_space<vmem>> -> memref<128xi32, #tpu.memory_space<vmem>>
        %dma_wait3A_70 = arith.constant 0 : i32
        %dma_wait3A_71 = arith.constant 0 : i32
        %dma_wait3A_72 = tpu.memref_slice %arg11[%dma_wait3A_70, %dma_wait3A_71] : memref<10112x128xf32, #tpu.memory_space<vmem_shared>> -> memref<10112x128xf32, #tpu.memory_space<vmem_shared>>
        tpu.wait_indirect_dma semaphore(%run_scoped3A : memref<!tpu.dma_semaphore, #tpu.memory_space<semaphore_mem>>) src(%arg10 : memref<128x128xf32, #tpu.memory_space<vmem>>) dst(%dma_wait3A_72 : memref<10112x128xf32, #tpu.memory_space<vmem_shared>>)
        tpu.yield
      }) : () -> ()
    }
    %scan3A_17 = arith.constant 20 : i32
    %add3A_18 = arith.constant 40 : i32
    %add3A_19 = arith.addi %mul3A_2, %add3A_18 : i32
    "tpu.region"() ({
      %run_scoped3A = tpu.sem_alloc : memref<!tpu.dma_semaphore, #tpu.memory_space<semaphore_mem>>
      %dma_start3A_27 = arith.constant 0 : i32
      %dma_start3A_28 = tpu.memref_slice %arg4[%add3A_19, %dma_start3A_27] : memref<2560x128xi32, #tpu.memory_space<hbm>> -> memref<40x128xi32, #tpu.memory_space<hbm>>
      %dma_start3A_29 = arith.constant 0 : i32
      %dma_start3A_30 = tpu.memref_slice %arg4[%add3A_19, %dma_start3A_29] : memref<2560x128xi32, #tpu.memory_space<hbm>> -> memref<40x128xi32, #tpu.memory_space<hbm>>
      tpu.enqueue_dma source(%dma_start3A_30 : memref<40x128xi32, #tpu.memory_space<hbm>>) target(%arg8 : memref<40x128xi32, #tpu.memory_space<vmem>>) target_semaphore(%run_scoped3A : memref<!tpu.dma_semaphore, #tpu.memory_space<semaphore_mem>>)
      %dma_wait3A = arith.constant 0 : i32
      %dma_wait3A_31 = tpu.memref_slice %arg4[%add3A_19, %dma_wait3A] : memref<2560x128xi32, #tpu.memory_space<hbm>> -> memref<40x128xi32, #tpu.memory_space<hbm>>
      %dma_wait3A_32 = arith.constant 0 : i32
      %dma_wait3A_33 = tpu.memref_slice %arg4[%add3A_19, %dma_wait3A_32] : memref<2560x128xi32, #tpu.memory_space<hbm>> -> memref<40x128xi32, #tpu.memory_space<hbm>>
      tpu.wait_dma2 semaphore(%run_scoped3A : memref<!tpu.dma_semaphore, #tpu.memory_space<semaphore_mem>>) src(%dma_wait3A_33 : memref<40x128xi32, #tpu.memory_space<hbm>>) dst(%arg8 : memref<40x128xi32, #tpu.memory_space<vmem>>)
      tpu.yield
    }) : () -> ()
    %scan3A_20 = arith.constant 0 : i32
    %scan3A_21 = arith.constant 0 : i32
    %scan3A_22 = arith.constant 20 : i32
    %scan3A_23 = arith.addi %scan3A_21, %scan3A_22 : i32
    %scan3A_24 = arith.constant 1 : i32
    scf.for %scan3A_27 = %scan3A_21 to %scan3A_23 step %scan3A_24  : i32 {
      %mul3A_28 = arith.constant 2 : i32
      %mul3A_29 = arith.muli %mul3A_28, %scan3A_27 : i32
      %add3A_30 = arith.constant 40 : i32
      %add3A_31 = arith.addi %add3A_30, %mul3A_29 : i32
      %mul3A_32 = arith.constant 2 : i32
      %mul3A_33 = arith.muli %mul3A_32, %scan3A_27 : i32
      %add3A_34 = arith.constant 1 : i32
      %add3A_35 = arith.addi %add3A_31, %add3A_34 : i32
      %dma_start3A_36 = arith.constant 0 : i32
      %dma_start3A_37 = tpu.memref_slice %arg7[%add3A_35, %dma_start3A_36] : memref<80x128xi32, #tpu.memory_space<vmem>> -> memref<1x128xi32, #tpu.memory_space<vmem>>
      %dma_start3A_38 = tpu.memref_squeeze %dma_start3A_37 : memref<1x128xi32, #tpu.memory_space<vmem>> -> memref<128xi32, #tpu.memory_space<vmem>>
      %dma_start3A_39 = arith.constant 0 : i32
      %dma_start3A_40 = arith.constant 0 : i32
      %dma_start3A_41 = tpu.memref_slice %arg2[%dma_start3A_39, %dma_start3A_40] : memref<10000x128xf32, #tpu.memory_space<hbm>> -> memref<10000x128xf32, #tpu.memory_space<hbm>>
      tpu.enqueue_indirect_dma source(%dma_start3A_41 : memref<10000x128xf32, #tpu.memory_space<hbm>>) target(%arg10 : memref<128x128xf32, #tpu.memory_space<vmem>>) offsets(%dma_start3A_38 : memref<128xi32, #tpu.memory_space<vmem>>) semaphore(%arg13 : memref<!tpu.dma_semaphore, #tpu.memory_space<semaphore_mem>>)
      %dma_wait3A = arith.constant 0 : i32
      %dma_wait3A_42 = tpu.memref_slice %arg7[%add3A_31, %dma_wait3A] : memref<80x128xi32, #tpu.memory_space<vmem>> -> memref<1x128xi32, #tpu.memory_space<vmem>>
      %dma_wait3A_43 = tpu.memref_squeeze %dma_wait3A_42 : memref<1x128xi32, #tpu.memory_space<vmem>> -> memref<128xi32, #tpu.memory_space<vmem>>
      %dma_wait3A_44 = arith.constant 0 : i32
      %dma_wait3A_45 = arith.constant 0 : i32
      %dma_wait3A_46 = tpu.memref_slice %arg2[%dma_wait3A_44, %dma_wait3A_45] : memref<10000x128xf32, #tpu.memory_space<hbm>> -> memref<10000x128xf32, #tpu.memory_space<hbm>>
      tpu.wait_indirect_dma semaphore(%arg12 : memref<!tpu.dma_semaphore, #tpu.memory_space<semaphore_mem>>) src(%dma_wait3A_46 : memref<10000x128xf32, #tpu.memory_space<hbm>>) dst(%arg9 : memref<128x128xf32, #tpu.memory_space<vmem>>)
      "tpu.region"() ({
        %run_scoped3A = tpu.sem_alloc : memref<!tpu.dma_semaphore, #tpu.memory_space<semaphore_mem>>
        %dma_start3A_61 = arith.constant 0 : i32
        %dma_start3A_62 = tpu.memref_slice %arg8[%mul3A_33, %dma_start3A_61] : memref<40x128xi32, #tpu.memory_space<vmem>> -> memref<1x128xi32, #tpu.memory_space<vmem>>
        %dma_start3A_63 = tpu.memref_squeeze %dma_start3A_62 : memref<1x128xi32, #tpu.memory_space<vmem>> -> memref<128xi32, #tpu.memory_space<vmem>>
        %dma_start3A_64 = arith.constant 0 : i32
        %dma_start3A_65 = arith.constant 0 : i32
        %dma_start3A_66 = tpu.memref_slice %arg11[%dma_start3A_64, %dma_start3A_65] : memref<10112x128xf32, #tpu.memory_space<vmem_shared>> -> memref<10112x128xf32, #tpu.memory_space<vmem_shared>>
        tpu.enqueue_indirect_dma source(%arg9 : memref<128x128xf32, #tpu.memory_space<vmem>>) target(%dma_start3A_66 : memref<10112x128xf32, #tpu.memory_space<vmem_shared>>) offsets(%dma_start3A_63 : memref<128xi32, #tpu.memory_space<vmem>>) semaphore(%run_scoped3A : memref<!tpu.dma_semaphore, #tpu.memory_space<semaphore_mem>>) {add = true}
        %dma_wait3A_67 = arith.constant 0 : i32
        %dma_wait3A_68 = tpu.memref_slice %arg8[%mul3A_33, %dma_wait3A_67] : memref<40x128xi32, #tpu.memory_space<vmem>> -> memref<1x128xi32, #tpu.memory_space<vmem>>
        %dma_wait3A_69 = tpu.memref_squeeze %dma_wait3A_68 : memref<1x128xi32, #tpu.memory_space<vmem>> -> memref<128xi32, #tpu.memory_space<vmem>>
        %dma_wait3A_70 = arith.constant 0 : i32
        %dma_wait3A_71 = arith.constant 0 : i32
        %dma_wait3A_72 = tpu.memref_slice %arg11[%dma_wait3A_70, %dma_wait3A_71] : memref<10112x128xf32, #tpu.memory_space<vmem_shared>> -> memref<10112x128xf32, #tpu.memory_space<vmem_shared>>
        tpu.wait_indirect_dma semaphore(%run_scoped3A : memref<!tpu.dma_semaphore, #tpu.memory_space<semaphore_mem>>) src(%arg9 : memref<128x128xf32, #tpu.memory_space<vmem>>) dst(%dma_wait3A_72 : memref<10112x128xf32, #tpu.memory_space<vmem_shared>>)
        tpu.yield
      }) : () -> ()
      %add3A_47 = arith.constant 2 : i32
      %add3A_48 = arith.addi %add3A_31, %add3A_47 : i32
      %lt3A = arith.constant 80 : i32
      %lt3A_49 = arith.cmpi slt, %add3A_48, %lt3A : i32
      %convert_element_type3A = arith.extui %lt3A_49 : i1 to i32
      %cond3A = arith.constant 0 : i32
      %cond3A_50 = arith.cmpi ne, %convert_element_type3A, %cond3A : i32
      scf.if %cond3A_50 {
        %add3A_61 = arith.constant 2 : i32
        %add3A_62 = arith.addi %add3A_31, %add3A_61 : i32
        %dma_start3A_63 = arith.constant 0 : i32
        %dma_start3A_64 = tpu.memref_slice %arg7[%add3A_62, %dma_start3A_63] : memref<80x128xi32, #tpu.memory_space<vmem>> -> memref<1x128xi32, #tpu.memory_space<vmem>>
        %dma_start3A_65 = tpu.memref_squeeze %dma_start3A_64 : memref<1x128xi32, #tpu.memory_space<vmem>> -> memref<128xi32, #tpu.memory_space<vmem>>
        %dma_start3A_66 = arith.constant 0 : i32
        %dma_start3A_67 = arith.constant 0 : i32
        %dma_start3A_68 = tpu.memref_slice %arg2[%dma_start3A_66, %dma_start3A_67] : memref<10000x128xf32, #tpu.memory_space<hbm>> -> memref<10000x128xf32, #tpu.memory_space<hbm>>
        tpu.enqueue_indirect_dma source(%dma_start3A_68 : memref<10000x128xf32, #tpu.memory_space<hbm>>) target(%arg9 : memref<128x128xf32, #tpu.memory_space<vmem>>) offsets(%dma_start3A_65 : memref<128xi32, #tpu.memory_space<vmem>>) semaphore(%arg12 : memref<!tpu.dma_semaphore, #tpu.memory_space<semaphore_mem>>)
      } else {
      }
      %add3A_51 = arith.constant 1 : i32
      %add3A_52 = arith.addi %add3A_31, %add3A_51 : i32
      %dma_wait3A_53 = arith.constant 0 : i32
      %dma_wait3A_54 = tpu.memref_slice %arg7[%add3A_52, %dma_wait3A_53] : memref<80x128xi32, #tpu.memory_space<vmem>> -> memref<1x128xi32, #tpu.memory_space<vmem>>
      %dma_wait3A_55 = tpu.memref_squeeze %dma_wait3A_54 : memref<1x128xi32, #tpu.memory_space<vmem>> -> memref<128xi32, #tpu.memory_space<vmem>>
      %dma_wait3A_56 = arith.constant 0 : i32
      %dma_wait3A_57 = arith.constant 0 : i32
      %dma_wait3A_58 = tpu.memref_slice %arg2[%dma_wait3A_56, %dma_wait3A_57] : memref<10000x128xf32, #tpu.memory_space<hbm>> -> memref<10000x128xf32, #tpu.memory_space<hbm>>
      tpu.wait_indirect_dma semaphore(%arg13 : memref<!tpu.dma_semaphore, #tpu.memory_space<semaphore_mem>>) src(%dma_wait3A_58 : memref<10000x128xf32, #tpu.memory_space<hbm>>) dst(%arg10 : memref<128x128xf32, #tpu.memory_space<vmem>>)
      %add3A_59 = arith.constant 1 : i32
      %add3A_60 = arith.addi %mul3A_33, %add3A_59 : i32
      "tpu.region"() ({
        %run_scoped3A = tpu.sem_alloc : memref<!tpu.dma_semaphore, #tpu.memory_space<semaphore_mem>>
        %dma_start3A_61 = arith.constant 0 : i32
        %dma_start3A_62 = tpu.memref_slice %arg8[%add3A_60, %dma_start3A_61] : memref<40x128xi32, #tpu.memory_space<vmem>> -> memref<1x128xi32, #tpu.memory_space<vmem>>
        %dma_start3A_63 = tpu.memref_squeeze %dma_start3A_62 : memref<1x128xi32, #tpu.memory_space<vmem>> -> memref<128xi32, #tpu.memory_space<vmem>>
        %dma_start3A_64 = arith.constant 0 : i32
        %dma_start3A_65 = arith.constant 0 : i32
        %dma_start3A_66 = tpu.memref_slice %arg11[%dma_start3A_64, %dma_start3A_65] : memref<10112x128xf32, #tpu.memory_space<vmem_shared>> -> memref<10112x128xf32, #tpu.memory_space<vmem_shared>>
        tpu.enqueue_indirect_dma source(%arg10 : memref<128x128xf32, #tpu.memory_space<vmem>>) target(%dma_start3A_66 : memref<10112x128xf32, #tpu.memory_space<vmem_shared>>) offsets(%dma_start3A_63 : memref<128xi32, #tpu.memory_space<vmem>>) semaphore(%run_scoped3A : memref<!tpu.dma_semaphore, #tpu.memory_space<semaphore_mem>>) {add = true}
        %dma_wait3A_67 = arith.constant 0 : i32
        %dma_wait3A_68 = tpu.memref_slice %arg8[%add3A_60, %dma_wait3A_67] : memref<40x128xi32, #tpu.memory_space<vmem>> -> memref<1x128xi32, #tpu.memory_space<vmem>>
        %dma_wait3A_69 = tpu.memref_squeeze %dma_wait3A_68 : memref<1x128xi32, #tpu.memory_space<vmem>> -> memref<128xi32, #tpu.memory_space<vmem>>
        %dma_wait3A_70 = arith.constant 0 : i32
        %dma_wait3A_71 = arith.constant 0 : i32
        %dma_wait3A_72 = tpu.memref_slice %arg11[%dma_wait3A_70, %dma_wait3A_71] : memref<10112x128xf32, #tpu.memory_space<vmem_shared>> -> memref<10112x128xf32, #tpu.memory_space<vmem_shared>>
        tpu.wait_indirect_dma semaphore(%run_scoped3A : memref<!tpu.dma_semaphore, #tpu.memory_space<semaphore_mem>>) src(%arg10 : memref<128x128xf32, #tpu.memory_space<vmem>>) dst(%dma_wait3A_72 : memref<10112x128xf32, #tpu.memory_space<vmem_shared>>)
        tpu.yield
      }) : () -> ()
    }
    %scan3A_25 = arith.constant 20 : i32
    %barrier3A_26 = arith.constant 0 : index
    tpu.barrier barrier_id(%barrier3A_26)
    "tpu.region"() ({
      %run_scoped3A = tpu.sem_alloc : memref<!tpu.dma_semaphore, #tpu.memory_space<semaphore_mem>>
      %dma_start3A_27 = arith.constant 0 : i32
      %dma_start3A_28 = tpu.memref_slice %arg6[%arg0, %mul3A_4, %dma_start3A_27] : memref<2x10112x128xf32, #tpu.memory_space<hbm>> -> memref<1x632x128xf32, #tpu.memory_space<hbm>>
      %dma_start3A_29 = tpu.memref_squeeze %dma_start3A_28 : memref<1x632x128xf32, #tpu.memory_space<hbm>> -> memref<632x128xf32, #tpu.memory_space<hbm>>
      %dma_start3A_30 = arith.constant 0 : i32
      %dma_start3A_31 = tpu.memref_slice %arg11[%mul3A_4, %dma_start3A_30] : memref<10112x128xf32, #tpu.memory_space<vmem_shared>> -> memref<632x128xf32, #tpu.memory_space<vmem_shared>>
      tpu.enqueue_dma source(%dma_start3A_31 : memref<632x128xf32, #tpu.memory_space<vmem_shared>>) target(%dma_start3A_29 : memref<632x128xf32, #tpu.memory_space<hbm>>) target_semaphore(%run_scoped3A : memref<!tpu.dma_semaphore, #tpu.memory_space<semaphore_mem>>)
      %dma_wait3A = arith.constant 0 : i32
      %dma_wait3A_32 = tpu.memref_slice %arg6[%arg0, %mul3A_4, %dma_wait3A] : memref<2x10112x128xf32, #tpu.memory_space<hbm>> -> memref<1x632x128xf32, #tpu.memory_space<hbm>>
      %dma_wait3A_33 = tpu.memref_squeeze %dma_wait3A_32 : memref<1x632x128xf32, #tpu.memory_space<hbm>> -> memref<632x128xf32, #tpu.memory_space<hbm>>
      %dma_wait3A_34 = arith.constant 0 : i32
      %dma_wait3A_35 = tpu.memref_slice %arg11[%mul3A_4, %dma_wait3A_34] : memref<10112x128xf32, #tpu.memory_space<vmem_shared>> -> memref<632x128xf32, #tpu.memory_space<vmem_shared>>
      tpu.wait_dma2 semaphore(%run_scoped3A : memref<!tpu.dma_semaphore, #tpu.memory_space<semaphore_mem>>) src(%dma_wait3A_35 : memref<632x128xf32, #tpu.memory_space<vmem_shared>>) dst(%dma_wait3A_33 : memref<632x128xf32, #tpu.memory_space<hbm>>)
      tpu.yield
    }) : () -> ()
    return
  }
}

module attributes {stable_mosaic.version = 14 : i64} {
  func.func @_lorentz_body(%arg0: i32, %arg1: memref<1000x128xf32, #tpu.memory_space<vmem>>, %arg2: memref<128x128xf32, #tpu.memory_space<vmem>>, %arg3: memref<1x1xf32, #tpu.memory_space<smem>>, %arg4: memref<1000x128xf32, #tpu.memory_space<vmem>>) attributes {dimension_semantics = [#tpu.dimension_semantics<arbitrary>], iteration_bounds = array<i64: 10>, scalar_prefetch = 0 : i64, scratch_operands = 0 : i64, tpu.core_type = #tpu.core_type<tc>, window_params = [{transform_indices = @transform_0, window_bounds = array<i64: 1000, 128>}, {pipeline_mode = #tpu.pipeline_mode<synchronous>, transform_indices = @transform_1, window_bounds = array<i64: 128, 128>}, {transform_indices = @transform_2, window_bounds = array<i64: 1, 1>}, {transform_indices = @transform_3, window_bounds = array<i64: 1000, 128>}]} {
    %get3A = arith.constant 0 : index
    %get3A_0 = arith.constant 0 : index
    %get3A_1 = vector.load %arg1[%get3A, %get3A_0] : memref<1000x128xf32, #tpu.memory_space<vmem>>, vector<1000x128xf32>
    %get3A_2 = arith.constant 0 : index
    %get3A_3 = arith.constant 0 : index
    %get3A_4 = vector.load %arg2[%get3A_2, %get3A_3] : memref<128x128xf32, #tpu.memory_space<vmem>>, vector<128x128xf32>
    %transpose3A = tpu.transpose %get3A_4, [1, 0] : vector<128x128xf32> -> vector<128x128xf32>
    %dot_general3A = arith.constant dense<0.000000e+00> : vector<1000x128xf32>
    %dot_general3A_5 = tpu.matmul %get3A_1, %transpose3A, %dot_general3A {dimension_numbers = #tpu.dot_dimension_numbers<[1], [0], [0], [1], [0, 0, 1, 1], [], []>, transpose_lhs_hint = false} : vector<1000x128xf32>, vector<128x128xf32>, vector<1000x128xf32> -> vector<1000x128xf32>
    %slice3A = vector.extract_strided_slice %dot_general3A_5 {offsets = [0, 0], sizes = [1000, 1], strides = [1, 1]} : vector<1000x128xf32> to vector<1000x1xf32>
    %logistic3A = arith.negf %slice3A : vector<1000x1xf32>
    %logistic3A_6 = math.exp %logistic3A : vector<1000x1xf32>
    %logistic3A_7 = arith.constant 1.000000e+00 : f32
    %logistic3A_8 = vector.broadcast %logistic3A_7 : f32 to vector<1000x1xf32>
    %logistic3A_9 = arith.addf %logistic3A_8, %logistic3A_6 : vector<1000x1xf32>
    %logistic3A_10 = arith.divf %logistic3A_8, %logistic3A_9 : vector<1000x1xf32>
    %get3A_11 = arith.constant 0 : index
    %get3A_12 = arith.constant 0 : index
    %get3A_13 = memref.load %arg3[%get3A_11, %get3A_12] : memref<1x1xf32, #tpu.memory_space<smem>>
    %mul3A = vector.broadcast %get3A_13 : f32 to vector<1000x1xf32>
    %mul3A_14 = arith.mulf %logistic3A_10, %mul3A : vector<1000x1xf32>
    %add3A = arith.constant 1.100000e+00 : f32
    %add3A_15 = vector.broadcast %add3A : f32 to vector<1000x1xf32>
    %add3A_16 = arith.addf %mul3A_14, %add3A_15 : vector<1000x1xf32>
    %mul3A_17 = arith.mulf %dot_general3A_5, %dot_general3A_5 : vector<1000x128xf32>
    %reduce_sum3A = arith.constant dense<0.000000e+00> : vector<1000xf32>
    %reduce_sum3A_18 = vector.multi_reduction <add>, %mul3A_17, %reduce_sum3A [1] : vector<1000x128xf32> to vector<1000xf32>
    %broadcast_in_dim3A = vector.shape_cast %reduce_sum3A_18 : vector<1000xf32> to vector<1000x1xf32>
    %mul3A_19 = arith.mulf %slice3A, %slice3A : vector<1000x1xf32>
    %sub3A = arith.subf %broadcast_in_dim3A, %mul3A_19 : vector<1000x1xf32>
    %jit3A = arith.constant 9.99999993E-9 : f32
    %max3A = vector.broadcast %jit3A : f32 to vector<1000x1xf32>
    %max3A_20 = arith.maximumf %max3A, %sub3A : vector<1000x1xf32>
    %mul3A_21 = arith.mulf %add3A_16, %add3A_16 : vector<1000x1xf32>
    %sub3A_22 = arith.constant 1.000000e+00 : f32
    %sub3A_23 = vector.broadcast %sub3A_22 : f32 to vector<1000x1xf32>
    %sub3A_24 = arith.subf %mul3A_21, %sub3A_23 : vector<1000x1xf32>
    %div3A = arith.divf %sub3A_24, %max3A_20 : vector<1000x1xf32>
    %iota3A = tpu.iota {dimensions = array<i32: 1>} : vector<1000x128xi32>
    %eq3A = arith.constant 0 : i32
    %eq3A_25 = vector.broadcast %eq3A : i32 to vector<1000x128xi32>
    %eq3A_26 = arith.cmpi eq, %iota3A, %eq3A_25 : vector<1000x128xi32>
    %sqrt3A = math.sqrt %div3A : vector<1000x1xf32>
    %mul3A_27 = vector.broadcast %sqrt3A : vector<1000x1xf32> to vector<1000x128xf32>
    %mul3A_28 = arith.mulf %dot_general3A_5, %mul3A_27 : vector<1000x128xf32>
    %broadcast_in_dim3A_29 = vector.shape_cast %add3A_16 : vector<1000x1xf32> to vector<1000x1xf32>
    %broadcast_in_dim3A_30 = vector.broadcast %broadcast_in_dim3A_29 : vector<1000x1xf32> to vector<1000x128xf32>
    %select_n3A = arith.select %eq3A_26, %broadcast_in_dim3A_30, %mul3A_28 : vector<1000x128xi1>, vector<1000x128xf32>
    %swap3A = arith.constant 0 : index
    %swap3A_31 = arith.constant 0 : index
    %swap3A_32 = vector.load %arg4[%swap3A, %swap3A_31] : memref<1000x128xf32, #tpu.memory_space<vmem>>, vector<1000x128xf32>
    tpu.vector_store %arg4[%swap3A, %swap3A_31], %select_n3A {strides = array<i32>} : memref<1000x128xf32, #tpu.memory_space<vmem>>, vector<1000x128xf32>,
    return
  }
  func.func @transform_0(%arg0: i32) -> (i32, i32) {
    %c0_i32 = arith.constant 0 : i32
    %c0_i32_0 = arith.constant 0 : i32
    return %arg0, %c0_i32 : i32, i32
  }
  func.func @transform_1(%arg0: i32) -> (i32, i32) {
    %c0_i32 = arith.constant 0 : i32
    %c0_i32_0 = arith.constant 0 : i32
    %c0_i32_1 = arith.constant 0 : i32
    return %c0_i32, %c0_i32_0 : i32, i32
  }
  func.func @transform_2(%arg0: i32) -> (i32, i32) {
    %c0_i32 = arith.constant 0 : i32
    %c0_i32_0 = arith.constant 0 : i32
    %c0_i32_1 = arith.constant 0 : i32
    return %c0_i32, %c0_i32_0 : i32, i32
  }
  func.func @transform_3(%arg0: i32) -> (i32, i32) {
    %c0_i32 = arith.constant 0 : i32
    %c0_i32_0 = arith.constant 0 : i32
    return %arg0, %c0_i32 : i32, i32
  }
}

module attributes {stable_mosaic.version = 14 : i64} {
  func.func @_norm_body(%arg0: i32, %arg1: memref<2x2528x128xf32, #tpu.memory_space<vmem>>, %arg2: memref<2528x128xf32, #tpu.memory_space<vmem>>) attributes {dimension_semantics = [#tpu.dimension_semantics<arbitrary>], iteration_bounds = array<i64: 4>, scalar_prefetch = 0 : i64, scratch_operands = 0 : i64, tpu.core_type = #tpu.core_type<tc>, window_params = [{transform_indices = @transform_0, window_bounds = array<i64: 2, 2528, 128>}, {transform_indices = @transform_1, window_bounds = array<i64: 2528, 128>}]} {
    %get3A = arith.constant 0 : index
    %get3A_0 = arith.constant 0 : index
    %get3A_1 = arith.constant 0 : index
    %get3A_2 = vector.load %arg1[%get3A, %get3A_0, %get3A_1] : memref<2x2528x128xf32, #tpu.memory_space<vmem>>, vector<1x2528x128xf32>
    %get3A_3 = vector.shape_cast %get3A_2 : vector<1x2528x128xf32> to vector<2528x128xf32>
    %get3A_4 = arith.constant 1 : index
    %get3A_5 = arith.constant 0 : index
    %get3A_6 = arith.constant 0 : index
    %get3A_7 = vector.load %arg1[%get3A_4, %get3A_5, %get3A_6] : memref<2x2528x128xf32, #tpu.memory_space<vmem>>, vector<1x2528x128xf32>
    %get3A_8 = vector.shape_cast %get3A_7 : vector<1x2528x128xf32> to vector<2528x128xf32>
    %add3A = arith.addf %get3A_3, %get3A_8 : vector<2528x128xf32>
    %slice3A = vector.extract_strided_slice %add3A {offsets = [0, 0], sizes = [2528, 1], strides = [1, 1]} : vector<2528x128xf32> to vector<2528x1xf32>
    %mul3A = arith.constant 2.000000e+00 : f32
    %mul3A_9 = vector.broadcast %mul3A : f32 to vector<2528x1xf32>
    %mul3A_10 = arith.mulf %mul3A_9, %slice3A : vector<2528x1xf32>
    %mul3A_11 = arith.mulf %mul3A_10, %slice3A : vector<2528x1xf32>
    %mul3A_12 = arith.mulf %add3A, %add3A : vector<2528x128xf32>
    %reduce_sum3A = arith.constant dense<0.000000e+00> : vector<2528xf32>
    %reduce_sum3A_13 = vector.multi_reduction <add>, %mul3A_12, %reduce_sum3A [1] : vector<2528x128xf32> to vector<2528xf32>
    %broadcast_in_dim3A = vector.shape_cast %reduce_sum3A_13 : vector<2528xf32> to vector<2528x1xf32>
    %sub3A = arith.subf %mul3A_11, %broadcast_in_dim3A : vector<2528x1xf32>
    %abs3A = math.absf %sub3A : vector<2528x1xf32>
    %jit3A = arith.constant 9.99999993E-9 : f32
    %max3A = vector.broadcast %jit3A : f32 to vector<2528x1xf32>
    %max3A_14 = arith.maximumf %max3A, %abs3A : vector<2528x1xf32>
    %sqrt3A = math.sqrt %max3A_14 : vector<2528x1xf32>
    %div3A = vector.broadcast %sqrt3A : vector<2528x1xf32> to vector<2528x128xf32>
    %div3A_15 = arith.divf %add3A, %div3A : vector<2528x128xf32>
    %swap3A = arith.constant 0 : index
    %swap3A_16 = arith.constant 0 : index
    %swap3A_17 = vector.load %arg2[%swap3A, %swap3A_16] : memref<2528x128xf32, #tpu.memory_space<vmem>>, vector<2528x128xf32>
    tpu.vector_store %arg2[%swap3A, %swap3A_16], %div3A_15 {strides = array<i32>} : memref<2528x128xf32, #tpu.memory_space<vmem>>, vector<2528x128xf32>,
    return
  }
  func.func @transform_0(%arg0: i32) -> (i32, i32, i32) {
    %c0_i32 = arith.constant 0 : i32
    %c0_i32_0 = arith.constant 0 : i32
    %c0_i32_1 = arith.constant 0 : i32
    return %c0_i32, %arg0, %c0_i32_0 : i32, i32, i32
  }
  func.func @transform_1(%arg0: i32) -> (i32, i32) {
    %c0_i32 = arith.constant 0 : i32
    %c0_i32_0 = arith.constant 0 : i32
    return %arg0, %c0_i32 : i32, i32
  }
}

module attributes {stable_mosaic.version = 14 : i64} {
  func.func @_final_body(%arg0: i32, %arg1: memref<2x1000x128xf32, #tpu.memory_space<vmem>>, %arg2: memref<1000x128xf32, #tpu.memory_space<vmem>>, %arg3: memref<1x1xf32, #tpu.memory_space<smem>>, %arg4: memref<1000x128xf32, #tpu.memory_space<vmem>>) attributes {dimension_semantics = [#tpu.dimension_semantics<arbitrary>], iteration_bounds = array<i64: 10>, scalar_prefetch = 0 : i64, scratch_operands = 0 : i64, tpu.core_type = #tpu.core_type<tc>, window_params = [{transform_indices = @transform_0, window_bounds = array<i64: 2, 1000, 128>}, {transform_indices = @transform_1, window_bounds = array<i64: 1000, 128>}, {transform_indices = @transform_2, window_bounds = array<i64: 1, 1>}, {transform_indices = @transform_3, window_bounds = array<i64: 1000, 128>}]} {
    %get3A = arith.constant 0 : index
    %get3A_0 = arith.constant 0 : index
    %get3A_1 = memref.load %arg3[%get3A, %get3A_0] : memref<1x1xf32, #tpu.memory_space<smem>>
    %get3A_2 = arith.constant 0 : index
    %get3A_3 = arith.constant 0 : index
    %get3A_4 = arith.constant 0 : index
    %get3A_5 = vector.load %arg1[%get3A_2, %get3A_3, %get3A_4] : memref<2x1000x128xf32, #tpu.memory_space<vmem>>, vector<1x1000x128xf32>
    %get3A_6 = vector.shape_cast %get3A_5 : vector<1x1000x128xf32> to vector<1000x128xf32>
    %get3A_7 = arith.constant 1 : index
    %get3A_8 = arith.constant 0 : index
    %get3A_9 = arith.constant 0 : index
    %get3A_10 = vector.load %arg1[%get3A_7, %get3A_8, %get3A_9] : memref<2x1000x128xf32, #tpu.memory_space<vmem>>, vector<1x1000x128xf32>
    %get3A_11 = vector.shape_cast %get3A_10 : vector<1x1000x128xf32> to vector<1000x128xf32>
    %add3A = arith.addf %get3A_6, %get3A_11 : vector<1000x128xf32>
    %mul3A = vector.broadcast %get3A_1 : f32 to vector<1000x128xf32>
    %mul3A_12 = arith.mulf %mul3A, %add3A : vector<1000x128xf32>
    %get3A_13 = arith.constant 0 : index
    %get3A_14 = arith.constant 0 : index
    %get3A_15 = vector.load %arg2[%get3A_13, %get3A_14] : memref<1000x128xf32, #tpu.memory_space<vmem>>, vector<1000x128xf32>
    %add3A_16 = arith.addf %mul3A_12, %get3A_15 : vector<1000x128xf32>
    %swap3A = arith.constant 0 : index
    %swap3A_17 = arith.constant 0 : index
    %swap3A_18 = vector.load %arg4[%swap3A, %swap3A_17] : memref<1000x128xf32, #tpu.memory_space<vmem>>, vector<1000x128xf32>
    tpu.vector_store %arg4[%swap3A, %swap3A_17], %add3A_16 {strides = array<i32>} : memref<1000x128xf32, #tpu.memory_space<vmem>>, vector<1000x128xf32>,
    return
  }
  func.func @transform_0(%arg0: i32) -> (i32, i32, i32) {
    %c0_i32 = arith.constant 0 : i32
    %c0_i32_0 = arith.constant 0 : i32
    %c0_i32_1 = arith.constant 0 : i32
    return %c0_i32, %arg0, %c0_i32_0 : i32, i32, i32
  }
  func.func @transform_1(%arg0: i32) -> (i32, i32) {
    %c0_i32 = arith.constant 0 : i32
    %c0_i32_0 = arith.constant 0 : i32
    return %arg0, %c0_i32 : i32, i32
  }
  func.func @transform_2(%arg0: i32) -> (i32, i32) {
    %c0_i32 = arith.constant 0 : i32
    %c0_i32_0 = arith.constant 0 : i32
    %c0_i32_1 = arith.constant 0 : i32
    return %c0_i32, %c0_i32_0 : i32, i32
  }
  func.func @transform_3(%arg0: i32) -> (i32, i32) {
    %c0_i32 = arith.constant 0 : i32
    %c0_i32_0 = arith.constant 0 : i32
    return %arg0, %c0_i32 : i32, i32
  }
}

</mosaic_0001>

<sc_bundles>
// kernel: kernel.10.cloned.1.call-start
scs
__scs_entry_jumppad:
0x0: {  	(pc) =	sbr.rel $0x88, $3  }
0x1: {  	(tag) =	ssettag $0x0;
	lr =	simm.s32 $0x1  }
0x2: {  	[smem:$0x3F9B] =	sst lr;
	_ =	strace $0xD0000000  }
0x3: {  	_ = 	snop  }
0x4: {  	_ = 	snop  }
0x5: {  	_ = 	snop  }
0x6: {  	_ = 	snop  }
0x7: {  	_ = 	snop  }
__scs_overlays_trampoline_lowered:
0x8: {  	[smem:$0x3FAA] =	sst s0  }
0x9: {  	[smem:$0x3FAB] =	sst s1  }
0xa: {  	[smem:$0x3FAC] =	sst s2  }
0xb: {  	[smem:$0x3FAD] =	sst s3  }
0xc: {  	[smem:$0x3FAE] =	sst s4  }
0xd: {  	[smem:$0x3FAF] =	sst s5  }
0xe: {  	[smem:$0x3FB0] =	sst s6  }
0xf: {  	[smem:$0x3FB1] =	sst s7  }
0x10: {  	[smem:$0x3FB2] =	sst s8  }
0x11: {  	[smem:$0x3FB3] =	sst s9;
	s0 =	simm.s32 @!p0 $0x0  }
0x12: {  	s1 =	sld [smem:$0x3F99];
	s0 =	simm.s32 @p0 $0x1  }
0x13: {  	[smem:$0x3FB4] =	sst s0;
	s0 =	simm.s32 @!p1 $0x0  }
0x14: {  	s2 =	sld [smem:$0x3F98];
	s0 =	simm.s32 @p1 $0x1  }
0x15: {  	[smem:$0x3FB5] =	sst s0;
	s0 =	simm.s32 @!p2 $0x0  }
0x16: {  	s3 =	sld [smem:$0x3FDB];
	s0 =	simm.s32 @p2 $0x1  }
0x17: {  	s4 =	simm.s32 $0x1BF5;
	[smem:$0x3FB7] =	sst s0  }
0x18: {  	s0 =	sld [smem:$0x3F9A];
	_ =	swait.ge [sflag:s4], $0x0  }
0x19: {  	s7 =	sld [smem:$0x3F9B]  }
0x1a: {  	s8 =	sadd.s32 $0xFFFFE003, lr  }
0x1b: {  	s9 =	sadd.s32 $0xFFFFFEF7, lr;
	s5 =	simm.s32 $0xFFFFFFFF;
	p2 =	slt.u32 s8, $0xFFFFF086  }
0x1c: {  	p1 =	slt.u32 s9, $0xF7A;
	s5 =	simm.s32 @!p2 $0x0  }
0x1d: {  	s5 =	simm.s32 @p1 $0x1;
	p0 =	seq.s32 s7, s2  }
0x1e: {  	s7 =	smul.u32 @!p0 $0xF7A, s2;
	p2 =	seq.s32 @!p0 s5, $0x0  }
0x1f: {  	s9 =	smul.u32 $0xF7A, s1;
	s8 =	simm.s32 @!p0 $0x1BF5;
	p2 =	por !p2, p0  }
0x20: {  	[sflag:s8] =	ssyncset.s32 @!p0 $0xFFFFF086;
	s6 =	sadd.s32 @!p0 s3, s7;
	s7 =	simm.s32 @!p0 $0x108  }
0x21: {  	s3 =	sadd.s32 s3, s9;
	s6 =	sadd.s32 @!p0 $0x88, s6;
	s7 =	simm.s32 @p2 $0x1082  }
0x22: {  	[simem:s7], [sflag:s8] =	dma.local @!p0 [hbm:s6], $0xF7A  }
0x23: {  	s9 =	sor.u32 $0xD0000000, s2;
	s6 =	simm.s32 $0x108;
	_ =	swait.ge @!p0 [sflag:s8], $0x0  }
0x24: {  	s3 =	sadd.s32 $0x88, s3;
	s6 =	simm.s32 @!p1 $0x1082;
	[sflag:s4] =	ssyncset.s32 $0xFFFFF086  }
0x25: {  	[simem:s6], [sflag:s4] =	dma.local [hbm:s3], $0xF7A  }
0x26: {  	[smem:$0x3F9B] =	sst s1;
	(tag) =	ssettag s2;
	_ =	strace s9  }
0x27: {  	s1 =	sld [smem:$0x3FAB]  }
0x28: {  	s2 =	sld [smem:$0x3FAC]  }
0x29: {  	s4 =	sld [smem:$0x3FAE]  }
0x2a: {  	p0 =	seq.s32 s5, $0x0;
	s5 =	sld [smem:$0x3FAF]  }
0x2b: {  	s6 =	sld [smem:$0x3FB0]  }
0x2c: {  	s7 =	sld [smem:$0x3FB1]  }
0x2d: {  	s3 =	simm.s32 $0x108;
	s8 =	sld [smem:$0x3FB2]  }
0x2e: {  	s3 =	simm.s32 @!p0 $0x1082;
	s9 =	sld [smem:$0x3FB3]  }
0x2f: {  	lr =	sadd.s32 s0, s3;
	s0 =	sld [smem:$0x3FAA]  }
0x30: {  	s3 =	sld [smem:$0x3FAD]  }
0x31: {  	[smem:$0x3FB6] =	sst s10  }
0x32: {  	s10 =	sld [smem:$0x3FB4];
	_ =	sdelay $0x3  }
0x33: {  	p0 =	seq.s32 s10, $0x1;
	s10 =	sld [smem:$0x3FB6];
	_ =	sdelay $0x3  }
0x34: {  	[smem:$0x3FB6] =	sst s10  }
0x35: {  	s10 =	sld [smem:$0x3FB5];
	_ =	sdelay $0x3  }
0x36: {  	p1 =	seq.s32 s10, $0x1;
	s10 =	sld [smem:$0x3FB6];
	_ =	sdelay $0x3  }
0x37: {  	[smem:$0x3FB6] =	sst s10  }
0x38: {  	s10 =	sld [smem:$0x3FB7]  }
0x39: {  	_ = 	snop;
	(pc) =	sbr.ind lr, $3  }
0x3a: {  	_ = 	snop  }
0x3b: {  	_ = 	snop  }
0x3c: {  	p2 =	seq.s32 s10, $0x1;
	s10 =	sld [smem:$0x3FB6]  }
0x3d: {  	_ =	shalt  }
0x3e: {  	_ =	shalt  }
0x3f: {  	_ =	shalt  }
0x40: {  	_ =	shalt  }
0x41: {  	_ =	shalt  }
0x42: {  	_ =	shalt  }
0x43: {  	_ =	shalt  }
0x44: {  	_ =	shalt  }
0x45: {  	_ =	shalt  }
0x46: {  	_ =	shalt  }
0x47: {  	_ =	shalt  }
0x48: {  	_ =	shalt  }
0x49: {  	_ =	shalt  }
0x4a: {  	_ =	shalt  }
0x4b: {  	_ =	shalt  }
0x4c: {  	_ =	shalt  }
0x4d: {  	_ =	shalt  }
0x4e: {  	_ =	shalt  }
0x4f: {  	_ =	shalt  }
0x50: {  	_ =	shalt  }
0x51: {  	_ =	shalt  }
0x52: {  	_ =	shalt  }
0x53: {  	_ =	shalt  }
0x54: {  	_ =	shalt  }
0x55: {  	_ =	shalt  }
0x56: {  	_ =	shalt  }
0x57: {  	_ =	shalt  }
0x58: {  	_ =	shalt  }
0x59: {  	_ =	shalt  }
0x5a: {  	_ =	shalt  }
0x5b: {  	_ =	shalt  }
0x5c: {  	_ =	shalt  }
0x5d: {  	_ =	shalt  }
0x5e: {  	_ =	shalt  }
0x5f: {  	_ =	shalt  }
0x60: {  	_ =	shalt  }
0x61: {  	_ =	shalt  }
0x62: {  	_ =	shalt  }
0x63: {  	_ =	shalt  }
0x64: {  	_ =	shalt  }
0x65: {  	_ =	shalt  }
0x66: {  	_ =	shalt  }
0x67: {  	_ =	shalt  }
0x68: {  	_ =	shalt  }
0x69: {  	_ =	shalt  }
0x6a: {  	_ =	shalt  }
0x6b: {  	_ =	shalt  }
0x6c: {  	_ =	shalt  }
0x6d: {  	_ =	shalt  }
0x6e: {  	_ =	shalt  }
0x6f: {  	_ =	shalt  }
0x70: {  	_ =	shalt  }
0x71: {  	_ =	shalt  }
0x72: {  	_ =	shalt  }
0x73: {  	_ =	shalt  }
0x74: {  	_ =	shalt  }
0x75: {  	_ =	shalt  }
0x76: {  	_ =	shalt  }
0x77: {  	_ =	shalt  }
0x78: {  	_ =	shalt  }
0x79: {  	_ =	shalt  }
0x7a: {  	_ =	shalt  }
0x7b: {  	_ =	shalt  }
0x7c: {  	_ =	shalt  }
0x7d: {  	_ =	shalt  }
0x7e: {  	_ =	shalt  }
0x7f: {  	_ =	shalt  }
0x80: {  	_ =	shalt  }
0x81: {  	_ =	shalt  }
0x82: {  	_ =	shalt  }
0x83: {  	_ =	shalt  }
0x84: {  	_ =	shalt  }
0x85: {  	_ =	shalt  }
0x86: {  	_ =	shalt  }
0x87: {  	_ =	shalt  }
.Lfunc_end0:
.L_simem_size_0:
called_computation.1_lowered:
.L_overlay_start_0:
0x88: {  	s2 =	sld [smem:$0x3FD9]  }
0x89: {  	s3 =	sld [smem:$0x3FFE];
	_ =	sdelay $0x1  }
0x8a: {  	s1 =	srdreg.scid  }
0x8b: {  	s0 =	sand.u32 $0x1, s1  }
0x8c: {  	s16 =	sshll.u32 s0, $0xA;
	s2 =	sadd.s32 s3, s2  }
0x8d: {  	s2 =	sadd.s32 s2, s16  }
0x8e: {  	[smem:$0x3FC2] =	sst s2  }
0x8f: {  	_ = 	snop  }
0x90: {  	(tm) =	ssettm $0x1  }
0x91: {  	s17 =	sld [smem:$0x3FFB];
	_ =	sdelay $0x3  }
0x92: {  	_ =	strace s17  }
0x93: {  	s2 =	sld [smem:$0x3FFC];
	_ =	sdelay $0x3  }
0x94: {  	_ =	strace s2  }
0x95: {  	s2 =	sld [smem:$0x3FFD];
	_ =	sdelay $0x3  }
0x96: {  	_ =	strace s2  }
0x97: {  	_ =	strace $0x8FFFFFFF  }
0x98: {  	s18 =	sld [smem:$0x3FDB];
	_ =	sdelay $0x1  }
0x99: {  	s19 =	simm.s32 $_scs_section_size  }
0x9a: {  	s4 =	simm.s32 $_size__tile_overlayer_lowered;
	s5 =	simm.s32 $_tile_overlayer_lowered  }
0x9b: {  	s22 =	simm.s32 $0x1BFF;
	s21 =	sshll.u32 s5, $0x1;
	s2 =	sadd.s32 s19, s18  }
0x9c: {  	s6 =	simm.s32 $0x0;
	s20 =	sshll.u32 s4, $0x1;
	s4 =	sadd.s32 s21, s2  }
0x9d: {  	[timem:s6], [sflag:s22] =	dma.local [hbm:s4], s20  }
0x9e: {  	_ =	swait.ge [sflag:s22], s20  }
0x9f: {  	s3 =	ssub.s32 $0x0, s20;
	[sflag:s22] =	ssyncset.done $0x0  }
0xa0: {  	[sflag:s22] =	ssyncadd.s32 s3;
	_ =	sdelay $0x1  }
0xa1: {  	s23 =	simm.s32 $0x1B8B  }
0xa2: {  	_ =	swait.ge [sflag:s23], $0x1  }
0xa3: {  	[sflag:s23] =	ssyncset.done $0x0  }
0xa4: {  	s25 =	simm.s32 $0x1B8E;
	s24 =	sld [smem:$0x3FFE];
	[sflag:s23] =	ssyncadd.s32 $0xFFFFFFFF  }
0xa5: {  	s26 =	simm.s32 $execute0_lowered;
	[smem:$0x3FD2] =	sst s25  }
0xa6: {  	s4 =	sshll.u32 s26, $0x1;
	_ =	strace $0x80000049;
	[dreg:$0x1] =	wrdreg $0xFFFFFFFF  }
0xa7: {  	s28 =	simm.s32 $_size_execute0_lowered;
	s2 =	sadd.s32 s2, s4;
	[dreg:$0x0] =	wrdreg $0x0  }
0xa8: {  	s4 =	sshll.u32 s28, $0x1;
	[dreg:$0x2] =	wrdreg s2  }
0xa9: {  	[dreg:$0x3] =	wrdreg s4  }
0xaa: {  	[dreg:$0x4] =	wrdreg $0xC0  }
0xab: {  	_ =	task [dreg:s6], $0x5FFFF  }
0xac: {  	[dreg:$0x1] =	wrdreg $0xFFFFFFFF  }
0xad: {  	[dreg:$0x0] =	wrdreg $0x60  }
0xae: {  	[dreg:$0x2] =	wrdreg s24  }
0xaf: {  	[dreg:$0x3] =	wrdreg $0xBC000  }
0xb0: {  	[dreg:$0x4] =	wrdreg $0x9  }
0xb1: {  	_ =	task.clear_ibuf [dreg:s6], $0x5FFFF;
	_ =	strace $0x90000049  }
0xb2: {  	s29 =	simm.s32 $0x9;
	_ =	strace $0x8000004B  }
0xb3: {  	_ =	swait.ge [sflag:s29], $0x1  }
0xb4: {  	[sflag:s29] =	ssyncadd.s32 $0xFFFFFFFF  }
0xb5: {  	_ =	strace $0x9000004B  }
0xb6: {  	_ =	sfence  }
0xb7: {  	s30 =	sld [smem:$0x0];
	_ =	sdelay $0x2  }
0xb8: {  	s31 =	sshll.u32 s1, $0xD;
	s1 =	sshrl.u32 s1, $0x2  }
0xb9: {  	s3 =	sand.u32 $0x4000, s31;
	s1 =	sadd.s32 s1, s30  }
0xba: {  	s0 =	sor.u32 s3, s0;
	s1 =	sshll.u32 s1, $0x11  }
0xbb: {  	s0 =	sor.u32 s1, s0  }
0xbc: {  	s0 =	sadd.s32 $0x8F2B, s0  }
0xbd: {  	[sflag:s0] =	ssyncadd.remote.s32 $0x1  }
0xbe: {  	_ =	sfence.sel $0xFFFF  }
0xbf: {  	[dreg:$0x0] =	wrdreg $0xFFFFFFFF;
	(pc) =	sbr.abs _section_cstart, $3  }
0xc0: {  	[dreg:$0x1] =	wrdreg $0xFFFFFFFF  }
0xc1: {  	_ =	task.clear_ibuf [dreg:s6], $0x2FFFF;
	_ =	strace $0x9FFFFFFF  }
0xc2: {  	(tm) =	ssettm $0x7FFFFFFF  }
0xc3: {  	_ =	shalt  }
tec
execute0_lowered:
.L_overlay_start_1:
0x0: {  	(tag) =	ssettag $0x1  }
0x1: {  	s6 =	rddreg [dreg:$0x0]  }
0x2: {  	s0 =	srdreg.scid;
	s2 =	rddreg [dreg:$0x1]  }
0x3: {  	s3 =	simm.s32 $0x0;
	s16 =	simm.s32 $0x2800;
	s17 =	simm.s32 $0x7C00  }
0x4: {  	s18 =	simm.s32 $0x1;
	s19 =	simm.s32 $0x2;
	s20 =	simm.s32 $0x2780  }
0x5: {  	s21 =	simm.s32 $0x3B00;
	s22 =	simm.s32 $0x3B80;
	s23 =	simm.s32 $0x0  }
0x6: {  	s5 =	sand.u32 $0x1, s0;
	s0 =	stileid.u32;
	[smem:$0x7FF] =	sst s3  }
0x7: {  	s4 =	sadd.s32 $0x51A00, s6;
	s12 =	sadd.s32 $0x20200, s6;
	s9 =	smul.u32 $0x13C00, s0  }
0x8: {  	s1 =	sshll.u32 s5, $0x4;
	s10 =	smul.u32 $0x13C000, s5;
	s5 =	ssub.s32 $0x2, s5  }
0x9: {  	s28 =	smul.u32 $0x4F000, s0;
	s31 =	sshll.u32 s0, $0x6;
	s7 =	sor.u32 s0, s1  }
0xa: {  	s1 =	rddreg [dreg:$0x2];
	_ =	strace $0x8000004A;
	s14 =	sshrl.u32 s5, $0x1  }
0xb: {  	s8 =	smul.u32 $0x500, s7;
	s13 =	sshrl.u32 s9, $0x3;
	s9 =	sadd.s32 s9, s10  }
0xc: {  	s7 =	smul.u32 $0x2800, s7;
	s14 =	ssub.s32 s5, s14;
	s29 =	sshrl.u32 s28, $0x2  }
0xd: {  	s9 =	sshrl.u32 s9, $0x3;
	s13 =	sadd.s32 s13, s6;
	s15 =	sadd.s32 s29, s2  }
0xe: {  	s10 =	smax.u32 s14, $0x1;
	s14 =	simm.s32 $0x80;
	s11 =	sadd.s32 s8, s6  }
0xf: {  	s9 =	sadd.s32 s9, s6;
	s7 =	sshrl.u32 s7, $0x3;
	s6 =	sadd.s32 $0x2A200, s13  }
0x10: {  	s13 =	sshrl.u32 s15, $0x3;
	s15 =	simm.s32 $0x3C00;
	s5 =	sadd.s32 $0x16200, s11  }
0x11: {  	s30 =	sadd.s32 s12, s7;
	s7 =	sadd.s32 s12, s8;
	s9 =	sadd.s32 $0x79200, s9  }
0x12: {  	s11 =	simm.s32 $0x3;
	s12 =	sor.u32 $0x1C03, s31;
	s8 =	sadd.s32 $0x280, s30  }
.LBB2_1:
0x13: {  	[tilespmem:s3], [sflag:$0x3] =	stream.linear.gather [hbm4b:s5+s3], $0x2800, $0x38;
	[tilespmem:$0x1F800] =	vst v63  }
0x14: {  	_ =	swait.ge [sflag:s11], $0x2800  }
0x15: {  	[sflag:s11] =	ssyncset.done $0x0  }
0x16: {  	[sflag:s11] =	ssyncadd.s32 $0xFFFFD800  }
0x17: {  	[spmem:s13], [sflag:s12] =	dma.local [hbm:s6], $0x2780  }
0x18: {  	_ =	swait.ge [sflag:s11], $0x2780  }
0x19: {  	[sflag:s11] =	ssyncset.done $0x0  }
0x1a: {  	[sflag:s11] =	ssyncadd.s32 $0xFFFFD880  }
0x1b: {  	[tilespmem:s15], [sflag:$0x1] =	stream.indirect.gather [hbm4b:s4+s14], $0x80, s3, s14, $0xb8;
	[tilespmem:$0x1F800] =	vst v63  }
0x1c: {  	[bflag:$0x0] =	sbarrier.arrive $0xFFFF  }
0x1d: {  	[tilespmem:s16], [sflag:$0x3] =	stream.linear.gather [hbm4b:s7+s3], $0x1400, $0x38;
	[tilespmem:$0x1F800] =	vst v63  }
0x1e: {  	_ =	swait.ge [sflag:s11], $0x1400  }
0x1f: {  	[sflag:s11] =	ssyncset.done $0x0  }
0x20: {  	s24 =	simm.s32 $0x80;
	[sflag:s11] =	ssyncadd.s32 $0xFFFFEC00  }
0x21: {  	[tilespmem:s17], [sflag:$0x2] =	stream.indirect.gather [hbm4b:s4+s14], $0x80, s24, s14, $0xb8;
	[tilespmem:$0x1F800] =	vst v63  }
0x22: {  	_ =	swait.ge [sflag:s18], $0x4000  }
0x23: {  	[sflag:s18] =	ssyncset.done $0x0  }
0x24: {  	s29 =	simm.s32 $0x2800;
	[sflag:s18] =	ssyncadd.s32 $0xFFFFC000  }
0x25: {  	[spmem:s2] =	stream.indirect.scatter.add.f32 [tilespmem:s15], [sflag:$0x3], $0x80, s29, s14, $0xb8;
	[tilespmem:$0x1F800] =	vst v63  }
0x26: {  	_ =	swait.ge [sflag:s11], $0x4000  }
0x27: {  	[sflag:s11] =	ssyncset.done $0x0  }
0x28: {  	s30 =	simm.s32 $0x100;
	[sflag:s11] =	ssyncadd.s32 $0xFFFFC000  }
0x29: {  	[tilespmem:s15], [sflag:$0x1] =	stream.indirect.gather [hbm4b:s4+s14], $0x80, s30, s14, $0xb8;
	[tilespmem:$0x1F800] =	vst v63  }
0x2a: {  	_ =	swait.ge [sflag:s19], $0x4000  }
0x2b: {  	[sflag:s19] =	ssyncset.done $0x0  }
0x2c: {  	s31 =	simm.s32 $0x2880;
	[sflag:s19] =	ssyncadd.s32 $0xFFFFC000  }
0x2d: {  	[spmem:s2] =	stream.indirect.scatter.add.f32 [tilespmem:s17], [sflag:$0x3], $0x80, s31, s14, $0xb8;
	[tilespmem:$0x1F800] =	vst v63  }
0x2e: {  	_ =	swait.ge [sflag:s11], $0x4000  }
0x2f: {  	s25 =	simm.s32 $0x800;
	s24 =	simm.s32 $0x100;
	[sflag:s11] =	ssyncset.done $0x0  }
.LBB2_2:
0x30: {  	s26 =	sadd.s32 $0x80, s24  }
0x31: {  	[sflag:s11] =	ssyncadd.s32 $0xFFFFC000;
	s28 =	smov.u32 s25;
	s29 =	sadd.s32 $0x400, s25  }
0x32: {  	[tilespmem:s17], [sflag:$0x2] =	stream.indirect.gather [hbm4b:s4+s14], $0x80, s26, s14, $0xb8;
	[tilespmem:$0x1F800] =	vst v63  }
0x33: {  	p0 =	sne.s32 s25, $0x4C00;
	_ =	swait.ge [sflag:s18], $0x4000  }
0x34: {  	[sflag:s18] =	ssyncset.done $0x0  }
0x35: {  	s25 =	sadd.s32 $0x2800, s24;
	[sflag:s18] =	ssyncadd.s32 $0xFFFFC000  }
0x36: {  	[spmem:s2] =	stream.indirect.scatter.add.f32 [tilespmem:s15], [sflag:$0x3], $0x80, s25, s14, $0xb8;
	[tilespmem:$0x1F800] =	vst v63  }
0x37: {  	_ =	swait.ge [sflag:s11], $0x4000  }
0x38: {  	[sflag:s11] =	ssyncset.done $0x0  }
0x39: {  	s25 =	sadd.s32 $0x100, s24;
	[sflag:s11] =	ssyncadd.s32 $0xFFFFC000  }
0x3a: {  	[tilespmem:s15], [sflag:$0x1] =	stream.indirect.gather [hbm4b:s4+s14], $0x80, s25, s14, $0xb8;
	[tilespmem:$0x1F800] =	vst v63  }
0x3b: {  	_ =	swait.ge [sflag:s19], $0x4000  }
.Ltmp0:
0x3c: {  	[sflag:s19] =	ssyncset.done $0x0;
	(pc) =	sbr.rel @p0 .LBB2_2-.Ltmp0, $4  }
0x3d: {  	s24 =	sadd.s32 $0x2880, s24;
	[sflag:s19] =	ssyncadd.s32 $0xFFFFC000  }
0x3e: {  	[spmem:s2] =	stream.indirect.scatter.add.f32 [tilespmem:s17], [sflag:$0x3], $0x80, s24, s14, $0xb8;
	[tilespmem:$0x1F800] =	vst v63  }
0x3f: {  	_ =	swait.ge [sflag:s11], $0x4000  }
0x40: {  	s25 =	smov.u32 s29;
	s24 =	sshra.s32 s28, $0x2;
	[sflag:s11] =	ssyncset.done $0x0  }
0x41: {  	s25 =	sadd.s32 $0x80, s24;
	[sflag:s11] =	ssyncadd.s32 $0xFFFFC000  }
0x42: {  	[tilespmem:s17], [sflag:$0x2] =	stream.indirect.gather [hbm4b:s4+s14], $0x80, s25, s14, $0xb8;
	[tilespmem:$0x1F800] =	vst v63  }
0x43: {  	_ =	swait.ge [sflag:s18], $0x4000  }
0x44: {  	[sflag:s18] =	ssyncset.done $0x0  }
0x45: {  	s30 =	sadd.s32 $0x2800, s24;
	[sflag:s18] =	ssyncadd.s32 $0xFFFFC000  }
0x46: {  	[spmem:s2] =	stream.indirect.scatter.add.f32 [tilespmem:s15], [sflag:$0x3], $0x80, s30, s14, $0xb8;
	[tilespmem:$0x1F800] =	vst v63  }
0x47: {  	_ =	swait.ge [sflag:s11], $0x4000  }
0x48: {  	[sflag:s11] =	ssyncset.done $0x0  }
0x49: {  	s31 =	sadd.s32 $0x100, s24;
	[sflag:s11] =	ssyncadd.s32 $0xFFFFC000  }
0x4a: {  	[tilespmem:s15], [sflag:$0x1] =	stream.indirect.gather [hbm4b:s4+s14], $0x80, s31, s14, $0xb8;
	[tilespmem:$0x1F800] =	vst v63  }
0x4b: {  	_ =	swait.ge [sflag:s19], $0x4000  }
0x4c: {  	[sflag:s19] =	ssyncset.done $0x0  }
0x4d: {  	s25 =	sadd.s32 $0x2880, s24;
	[sflag:s19] =	ssyncadd.s32 $0xFFFFC000  }
0x4e: {  	[spmem:s2] =	stream.indirect.scatter.add.f32 [tilespmem:s17], [sflag:$0x3], $0x80, s25, s14, $0xb8;
	[tilespmem:$0x1F800] =	vst v63  }
0x4f: {  	_ =	swait.ge [sflag:s11], $0x4000  }
0x50: {  	[sflag:s11] =	ssyncset.done $0x0  }
0x51: {  	s26 =	simm.s32 $0x0;
	[sflag:s11] =	ssyncadd.s32 $0xFFFFC000  }
0x52: {  	[tilespmem:s16], [sflag:$0x3] =	stream.linear.gather [hbm4b:s8+s26], $0x1400, $0x38;
	[tilespmem:$0x1F800] =	vst v63  }
0x53: {  	_ =	swait.ge [sflag:s11], $0x1400  }
0x54: {  	[sflag:s11] =	ssyncset.done $0x0  }
0x55: {  	s28 =	simm.s32 $0x1480;
	[sflag:s11] =	ssyncadd.s32 $0xFFFFEC00  }
0x56: {  	[tilespmem:s17], [sflag:$0x2] =	stream.indirect.gather [hbm4b:s4+s14], $0x80, s28, s14, $0xb8;
	[tilespmem:$0x1F800] =	vst v63  }
0x57: {  	_ =	swait.ge [sflag:s18], $0x4000  }
0x58: {  	[sflag:s18] =	ssyncset.done $0x0  }
0x59: {  	s29 =	simm.s32 $0x2800;
	[sflag:s18] =	ssyncadd.s32 $0xFFFFC000  }
0x5a: {  	[spmem:s2] =	stream.indirect.scatter.add.f32 [tilespmem:s15], [sflag:$0x3], $0x80, s29, s14, $0xb8;
	[tilespmem:$0x1F800] =	vst v63  }
0x5b: {  	_ =	swait.ge [sflag:s11], $0x4000  }
0x5c: {  	[sflag:s11] =	ssyncset.done $0x0  }
0x5d: {  	s30 =	simm.s32 $0x1500;
	[sflag:s11] =	ssyncadd.s32 $0xFFFFC000  }
0x5e: {  	[tilespmem:s15], [sflag:$0x1] =	stream.indirect.gather [hbm4b:s4+s14], $0x80, s30, s14, $0xb8;
	[tilespmem:$0x1F800] =	vst v63  }
0x5f: {  	_ =	swait.ge [sflag:s19], $0x4000  }
0x60: {  	[sflag:s19] =	ssyncset.done $0x0  }
0x61: {  	s31 =	simm.s32 $0x2880;
	[sflag:s19] =	ssyncadd.s32 $0xFFFFC000  }
0x62: {  	[spmem:s2] =	stream.indirect.scatter.add.f32 [tilespmem:s17], [sflag:$0x3], $0x80, s31, s14, $0xb8;
	[tilespmem:$0x1F800] =	vst v63  }
0x63: {  	_ =	swait.ge [sflag:s11], $0x4000  }
0x64: {  	s24 =	simm.s32 $0x100;
	s25 =	simm.s32 $0x800;
	[sflag:s11] =	ssyncset.done $0x0  }
.LBB2_4:
0x65: {  	s26 =	sadd.s32 $0x1480, s24  }
0x66: {  	[sflag:s11] =	ssyncadd.s32 $0xFFFFC000;
	s28 =	smov.u32 s25;
	s29 =	sadd.s32 $0x400, s25  }
0x67: {  	[tilespmem:s17], [sflag:$0x2] =	stream.indirect.gather [hbm4b:s4+s14], $0x80, s26, s14, $0xb8;
	[tilespmem:$0x1F800] =	vst v63  }
0x68: {  	p0 =	sne.s32 s25, $0x4800;
	_ =	swait.ge [sflag:s18], $0x4000  }
0x69: {  	[sflag:s18] =	ssyncset.done $0x0  }
0x6a: {  	s25 =	sadd.s32 $0x2800, s24;
	[sflag:s18] =	ssyncadd.s32 $0xFFFFC000  }
0x6b: {  	[spmem:s2] =	stream.indirect.scatter.add.f32 [tilespmem:s15], [sflag:$0x3], $0x80, s25, s14, $0xb8;
	[tilespmem:$0x1F800] =	vst v63  }
0x6c: {  	_ =	swait.ge [sflag:s11], $0x4000  }
0x6d: {  	[sflag:s11] =	ssyncset.done $0x0  }
0x6e: {  	s25 =	sadd.s32 $0x1500, s24;
	[sflag:s11] =	ssyncadd.s32 $0xFFFFC000  }
0x6f: {  	[tilespmem:s15], [sflag:$0x1] =	stream.indirect.gather [hbm4b:s4+s14], $0x80, s25, s14, $0xb8;
	[tilespmem:$0x1F800] =	vst v63  }
0x70: {  	_ =	swait.ge [sflag:s19], $0x4000  }
.Ltmp1:
0x71: {  	[sflag:s19] =	ssyncset.done $0x0;
	(pc) =	sbr.rel @p0 .LBB2_4-.Ltmp1, $4  }
0x72: {  	s24 =	sadd.s32 $0x2880, s24;
	[sflag:s19] =	ssyncadd.s32 $0xFFFFC000  }
0x73: {  	[spmem:s2] =	stream.indirect.scatter.add.f32 [tilespmem:s17], [sflag:$0x3], $0x80, s24, s14, $0xb8;
	[tilespmem:$0x1F800] =	vst v63  }
0x74: {  	_ =	swait.ge [sflag:s11], $0x4000  }
0x75: {  	s25 =	smov.u32 s29;
	s24 =	sshra.s32 s28, $0x2;
	[sflag:s11] =	ssyncset.done $0x0  }
0x76: {  	s25 =	sadd.s32 $0x1480, s24;
	[sflag:s11] =	ssyncadd.s32 $0xFFFFC000  }
0x77: {  	[tilespmem:s17], [sflag:$0x2] =	stream.indirect.gather [hbm4b:s4+s14], $0x80, s25, s14, $0xb8;
	[tilespmem:$0x1F800] =	vst v63  }
0x78: {  	_ =	swait.ge [sflag:s18], $0x4000  }
0x79: {  	[sflag:s18] =	ssyncset.done $0x0  }
0x7a: {  	s29 =	sadd.s32 $0x2800, s24;
	[sflag:s18] =	ssyncadd.s32 $0xFFFFC000  }
0x7b: {  	[spmem:s2] =	stream.indirect.scatter.add.f32 [tilespmem:s15], [sflag:$0x3], $0x80, s29, s14, $0xb8;
	[tilespmem:$0x1F800] =	vst v63  }
0x7c: {  	_ =	swait.ge [sflag:s11], $0x4000  }
0x7d: {  	[sflag:s11] =	ssyncset.done $0x0  }
0x7e: {  	s30 =	sadd.s32 $0x1500, s24;
	[sflag:s11] =	ssyncadd.s32 $0xFFFFC000  }
0x7f: {  	[tilespmem:s15], [sflag:$0x1] =	stream.indirect.gather [hbm4b:s4+s14], $0x80, s30, s14, $0xb8;
	[tilespmem:$0x1F800] =	vst v63  }
0x80: {  	_ =	swait.ge [sflag:s19], $0x4000  }
0x81: {  	[sflag:s19] =	ssyncset.done $0x0  }
0x82: {  	s31 =	sadd.s32 $0x2880, s24;
	[sflag:s19] =	ssyncadd.s32 $0xFFFFC000  }
0x83: {  	[spmem:s2] =	stream.indirect.scatter.add.f32 [tilespmem:s17], [sflag:$0x3], $0x80, s31, s14, $0xb8;
	[tilespmem:$0x1F800] =	vst v63  }
0x84: {  	_ =	swait.ge [sflag:s11], $0x4000  }
0x85: {  	[sflag:s11] =	ssyncset.done $0x0  }
0x86: {  	[sflag:s11] =	ssyncadd.s32 $0xFFFFC000  }
0x87: {  	[tilespmem:s17], [sflag:$0x2] =	stream.indirect.gather [hbm4b:s4+s14], $0x80, s20, s14, $0xb8;
	[tilespmem:$0x1F800] =	vst v63  }
0x88: {  	_ =	swait.ge [sflag:s18], $0x4000  }
0x89: {  	[sflag:s18] =	ssyncset.done $0x0  }
0x8a: {  	[sflag:s18] =	ssyncadd.s32 $0xFFFFC000  }
0x8b: {  	[spmem:s2] =	stream.indirect.scatter.add.f32 [tilespmem:s15], [sflag:$0x3], $0x80, s21, s14, $0xb8;
	[tilespmem:$0x1F800] =	vst v63  }
0x8c: {  	_ =	swait.ge [sflag:s11], $0x4000  }
0x8d: {  	[sflag:s11] =	ssyncset.done $0x0  }
0x8e: {  	[sflag:s11] =	ssyncadd.s32 $0xFFFFC000  }
0x8f: {  	_ =	swait.ge [sflag:s19], $0x4000  }
0x90: {  	[sflag:s19] =	ssyncset.done $0x0  }
0x91: {  	[sflag:s19] =	ssyncadd.s32 $0xFFFFC000  }
0x92: {  	[spmem:s2] =	stream.indirect.scatter.add.f32 [tilespmem:s17], [sflag:$0x3], $0x80, s22, s14, $0xb8;
	[tilespmem:$0x1F800] =	vst v63  }
0x93: {  	_ =	swait.ge [sflag:s11], $0x4000  }
0x94: {  	s23 =	sadd.s32 $0x1, s23;
	[sflag:s11] =	ssyncset.done $0x0  }
0x95: {  	p0 =	sne.s32 s23, s10;
	[sflag:s11] =	ssyncadd.s32 $0xFFFFC000  }
.Ltmp2:
0x96: {  	[bflag:$0x0] =	sbarrier.arrive $0xFFFF;
	(pc) =	sbr.rel @p0 .LBB2_1-.Ltmp2, $4  }
0x97: {  	[hbm:s9], [sflag:s12] =	dma.local [spmem:s13], $0x2780  }
0x98: {  	_ =	swait.ge [sflag:s11], $0x2780  }
0x99: {  	[sflag:s11] =	ssyncset.done $0x0  }
0x9a: {  	[sflag:s11] =	ssyncadd.s32 $0xFFFFD880  }
0x9b: {  	_ =	sfence.sel $0x180000  }
0x9c: {  	[bflag:$0x0] =	sbarrier.arrive $0xFFFF  }
0x9d: {  	p0 =	sne.s32 s0, $0x0;
	_ =	strace $0x9000004A  }
0x9e: {  	s0 =	sadd.s32 @!p0 $0x100000, s1;
	[bflag:$0x2] =	sbarrier.arrive $0xFFFF  }
0x9f: {  	[sflag:s0] =	ssyncadd.tile.s32 @!p0 $0x1;
	_ =	shalt  }
.Lfunc_end2:
_tile_overlayer_lowered:
.L_overlay_start_2:
0xa0: {  	(tag) =	ssettag $0x2  }
0xa1: {  	s0 =	rddreg [dreg:$0x0];
	s2 =	stileid.u32  }
0xa2: {  	s1 =	rddreg [dreg:$0x1];
	p0 =	sne.s32 s2, $0x0  }
0xa3: {  	s3 =	rddreg [dreg:$0x2];
	[bflag:$0x3] =	sbarrier.arrive $0xFFFF;
	s2 =	simm.s32 @!p0 $0x1C03  }
0xa4: {  	[timem:s3], [sflag:s2] =	dma.local @!p0 [hbm:s0], s1  }
0xa5: {  	s0 =	simm.s32 @!p0 $0x3  }
0xa6: {  	_ =	swait.ge @!p0 [sflag:s0], s1  }
0xa7: {  	s1 =	ssub.s32 @!p0 $0x0, s1;
	[sflag:s0] =	ssyncset.done @!p0 $0x0  }
0xa8: {  	[sflag:s0] =	ssyncadd.s32 @!p0 s1  }
0xa9: {  	[bflag:$0x3] =	sbarrier.arrive $0xFFFF  }
0xaa: {  	_ =	shalt  }

// kernel: kernel.7.cloned.1.call-start
scs
__scs_entry_jumppad:
0x0: {  	(pc) =	sbr.rel $0x88, $3  }
0x1: {  	(tag) =	ssettag $0x0;
	lr =	simm.s32 $0x1  }
0x2: {  	[smem:$0x3F9B] =	sst lr;
	_ =	strace $0xD0000000  }
0x3: {  	_ = 	snop  }
0x4: {  	_ = 	snop  }
0x5: {  	_ = 	snop  }
0x6: {  	_ = 	snop  }
0x7: {  	_ = 	snop  }
__scs_overlays_trampoline_lowered:
0x8: {  	[smem:$0x3FAA] =	sst s0  }
0x9: {  	[smem:$0x3FAB] =	sst s1  }
0xa: {  	[smem:$0x3FAC] =	sst s2  }
0xb: {  	[smem:$0x3FAD] =	sst s3  }
0xc: {  	[smem:$0x3FAE] =	sst s4  }
0xd: {  	[smem:$0x3FAF] =	sst s5  }
0xe: {  	[smem:$0x3FB0] =	sst s6  }
0xf: {  	[smem:$0x3FB1] =	sst s7  }
0x10: {  	[smem:$0x3FB2] =	sst s8  }
0x11: {  	[smem:$0x3FB3] =	sst s9;
	s0 =	simm.s32 @!p0 $0x0  }
0x12: {  	s1 =	sld [smem:$0x3F99];
	s0 =	simm.s32 @p0 $0x1  }
0x13: {  	[smem:$0x3FB4] =	sst s0;
	s0 =	simm.s32 @!p1 $0x0  }
0x14: {  	s2 =	sld [smem:$0x3F98];
	s0 =	simm.s32 @p1 $0x1  }
0x15: {  	[smem:$0x3FB5] =	sst s0;
	s0 =	simm.s32 @!p2 $0x0  }
0x16: {  	s3 =	sld [smem:$0x3FDB];
	s0 =	simm.s32 @p2 $0x1  }
0x17: {  	s4 =	simm.s32 $0x1BF5;
	[smem:$0x3FB7] =	sst s0  }
0x18: {  	s0 =	sld [smem:$0x3F9A];
	_ =	swait.ge [sflag:s4], $0x0  }
0x19: {  	s7 =	sld [smem:$0x3F9B]  }
0x1a: {  	s8 =	sadd.s32 $0xFFFFE003, lr  }
0x1b: {  	s9 =	sadd.s32 $0xFFFFFEF7, lr;
	s5 =	simm.s32 $0xFFFFFFFF;
	p2 =	slt.u32 s8, $0xFFFFF086  }
0x1c: {  	p1 =	slt.u32 s9, $0xF7A;
	s5 =	simm.s32 @!p2 $0x0  }
0x1d: {  	s5 =	simm.s32 @p1 $0x1;
	p0 =	seq.s32 s7, s2  }
0x1e: {  	s7 =	smul.u32 @!p0 $0xF7A, s2;
	p2 =	seq.s32 @!p0 s5, $0x0  }
0x1f: {  	s9 =	smul.u32 $0xF7A, s1;
	s8 =	simm.s32 @!p0 $0x1BF5;
	p2 =	por !p2, p0  }
0x20: {  	[sflag:s8] =	ssyncset.s32 @!p0 $0xFFFFF086;
	s6 =	sadd.s32 @!p0 s3, s7;
	s7 =	simm.s32 @!p0 $0x108  }
0x21: {  	s3 =	sadd.s32 s3, s9;
	s6 =	sadd.s32 @!p0 $0x88, s6;
	s7 =	simm.s32 @p2 $0x1082  }
0x22: {  	[simem:s7], [sflag:s8] =	dma.local @!p0 [hbm:s6], $0xF7A  }
0x23: {  	s9 =	sor.u32 $0xD0000000, s2;
	s6 =	simm.s32 $0x108;
	_ =	swait.ge @!p0 [sflag:s8], $0x0  }
0x24: {  	s3 =	sadd.s32 $0x88, s3;
	s6 =	simm.s32 @!p1 $0x1082;
	[sflag:s4] =	ssyncset.s32 $0xFFFFF086  }
0x25: {  	[simem:s6], [sflag:s4] =	dma.local [hbm:s3], $0xF7A  }
0x26: {  	[smem:$0x3F9B] =	sst s1;
	(tag) =	ssettag s2;
	_ =	strace s9  }
0x27: {  	s1 =	sld [smem:$0x3FAB]  }
0x28: {  	s2 =	sld [smem:$0x3FAC]  }
0x29: {  	s4 =	sld [smem:$0x3FAE]  }
0x2a: {  	p0 =	seq.s32 s5, $0x0;
	s5 =	sld [smem:$0x3FAF]  }
0x2b: {  	s6 =	sld [smem:$0x3FB0]  }
0x2c: {  	s7 =	sld [smem:$0x3FB1]  }
0x2d: {  	s3 =	simm.s32 $0x108;
	s8 =	sld [smem:$0x3FB2]  }
0x2e: {  	s3 =	simm.s32 @!p0 $0x1082;
	s9 =	sld [smem:$0x3FB3]  }
0x2f: {  	lr =	sadd.s32 s0, s3;
	s0 =	sld [smem:$0x3FAA]  }
0x30: {  	s3 =	sld [smem:$0x3FAD]  }
0x31: {  	[smem:$0x3FB6] =	sst s10  }
0x32: {  	s10 =	sld [smem:$0x3FB4];
	_ =	sdelay $0x3  }
0x33: {  	p0 =	seq.s32 s10, $0x1;
	s10 =	sld [smem:$0x3FB6];
	_ =	sdelay $0x3  }
0x34: {  	[smem:$0x3FB6] =	sst s10  }
0x35: {  	s10 =	sld [smem:$0x3FB5];
	_ =	sdelay $0x3  }
0x36: {  	p1 =	seq.s32 s10, $0x1;
	s10 =	sld [smem:$0x3FB6];
	_ =	sdelay $0x3  }
0x37: {  	[smem:$0x3FB6] =	sst s10  }
0x38: {  	s10 =	sld [smem:$0x3FB7]  }
0x39: {  	_ = 	snop;
	(pc) =	sbr.ind lr, $3  }
0x3a: {  	_ = 	snop  }
0x3b: {  	_ = 	snop  }
0x3c: {  	p2 =	seq.s32 s10, $0x1;
	s10 =	sld [smem:$0x3FB6]  }
0x3d: {  	_ =	shalt  }
0x3e: {  	_ =	shalt  }
0x3f: {  	_ =	shalt  }
0x40: {  	_ =	shalt  }
0x41: {  	_ =	shalt  }
0x42: {  	_ =	shalt  }
0x43: {  	_ =	shalt  }
0x44: {  	_ =	shalt  }
0x45: {  	_ =	shalt  }
0x46: {  	_ =	shalt  }
0x47: {  	_ =	shalt  }
0x48: {  	_ =	shalt  }
0x49: {  	_ =	shalt  }
0x4a: {  	_ =	shalt  }
0x4b: {  	_ =	shalt  }
0x4c: {  	_ =	shalt  }
0x4d: {  	_ =	shalt  }
0x4e: {  	_ =	shalt  }
0x4f: {  	_ =	shalt  }
0x50: {  	_ =	shalt  }
0x51: {  	_ =	shalt  }
0x52: {  	_ =	shalt  }
0x53: {  	_ =	shalt  }
0x54: {  	_ =	shalt  }
0x55: {  	_ =	shalt  }
0x56: {  	_ =	shalt  }
0x57: {  	_ =	shalt  }
0x58: {  	_ =	shalt  }
0x59: {  	_ =	shalt  }
0x5a: {  	_ =	shalt  }
0x5b: {  	_ =	shalt  }
0x5c: {  	_ =	shalt  }
0x5d: {  	_ =	shalt  }
0x5e: {  	_ =	shalt  }
0x5f: {  	_ =	shalt  }
0x60: {  	_ =	shalt  }
0x61: {  	_ =	shalt  }
0x62: {  	_ =	shalt  }
0x63: {  	_ =	shalt  }
0x64: {  	_ =	shalt  }
0x65: {  	_ =	shalt  }
0x66: {  	_ =	shalt  }
0x67: {  	_ =	shalt  }
0x68: {  	_ =	shalt  }
0x69: {  	_ =	shalt  }
0x6a: {  	_ =	shalt  }
0x6b: {  	_ =	shalt  }
0x6c: {  	_ =	shalt  }
0x6d: {  	_ =	shalt  }
0x6e: {  	_ =	shalt  }
0x6f: {  	_ =	shalt  }
0x70: {  	_ =	shalt  }
0x71: {  	_ =	shalt  }
0x72: {  	_ =	shalt  }
0x73: {  	_ =	shalt  }
0x74: {  	_ =	shalt  }
0x75: {  	_ =	shalt  }
0x76: {  	_ =	shalt  }
0x77: {  	_ =	shalt  }
0x78: {  	_ =	shalt  }
0x79: {  	_ =	shalt  }
0x7a: {  	_ =	shalt  }
0x7b: {  	_ =	shalt  }
0x7c: {  	_ =	shalt  }
0x7d: {  	_ =	shalt  }
0x7e: {  	_ =	shalt  }
0x7f: {  	_ =	shalt  }
0x80: {  	_ =	shalt  }
0x81: {  	_ =	shalt  }
0x82: {  	_ =	shalt  }
0x83: {  	_ =	shalt  }
0x84: {  	_ =	shalt  }
0x85: {  	_ =	shalt  }
0x86: {  	_ =	shalt  }
0x87: {  	_ =	shalt  }
.Lfunc_end0:
.L_simem_size_0:
called_computation_lowered:
.L_overlay_start_0:
0x88: {  	s2 =	sld [smem:$0x3FD9]  }
0x89: {  	s3 =	sld [smem:$0x3FFE];
	_ =	sdelay $0x1  }
0x8a: {  	s1 =	srdreg.scid  }
0x8b: {  	s0 =	sand.u32 $0x1, s1  }
0x8c: {  	s17 =	sshll.u32 s0, $0xA;
	s2 =	sadd.s32 s3, s2  }
0x8d: {  	s2 =	sadd.s32 s2, s17  }
0x8e: {  	[smem:$0x3FC2] =	sst s2  }
0x8f: {  	_ = 	snop  }
0x90: {  	s2 =	sld [smem:$0x3FD0];
	(tm) =	ssettm $0x1  }
0x91: {  	s18 =	sld [smem:$0x3FFB];
	_ =	sdelay $0x3  }
0x92: {  	_ =	strace s18  }
0x93: {  	s3 =	sld [smem:$0x3FFC];
	_ =	sdelay $0x3  }
0x94: {  	_ =	strace s3  }
0x95: {  	s3 =	sld [smem:$0x3FFD];
	_ =	sdelay $0x3  }
0x96: {  	_ =	strace s3  }
0x97: {  	_ =	strace $0x8FFFFFFF  }
0x98: {  	s19 =	sld [smem:$0x3FDB];
	_ =	sdelay $0x1  }
0x99: {  	s4 =	simm.s32 $_scs_section_size  }
0x9a: {  	s5 =	simm.s32 $_size__tile_overlayer_lowered;
	s6 =	simm.s32 $_tile_overlayer_lowered  }
0x9b: {  	s22 =	simm.s32 $0x1BFF;
	s21 =	sshll.u32 s6, $0x1;
	s3 =	sadd.s32 s4, s19  }
0x9c: {  	s7 =	simm.s32 $0x0;
	s20 =	sshll.u32 s5, $0x1;
	s5 =	sadd.s32 s21, s3  }
0x9d: {  	[timem:s7], [sflag:s22] =	dma.local [hbm:s5], s20  }
0x9e: {  	_ =	swait.ge [sflag:s22], s20  }
0x9f: {  	s4 =	ssub.s32 $0x0, s20;
	[sflag:s22] =	ssyncset.done $0x0  }
0xa0: {  	[sflag:s22] =	ssyncadd.s32 s4;
	_ =	sdelay $0x1  }
0xa1: {  	s23 =	simm.s32 $0x1B8B  }
0xa2: {  	_ =	swait.ge [sflag:s23], $0x1  }
0xa3: {  	[sflag:s23] =	ssyncset.done $0x0  }
0xa4: {  	s25 =	simm.s32 $0x1B8E;
	s24 =	sld [smem:$0x3FFE];
	[sflag:s23] =	ssyncadd.s32 $0xFFFFFFFF  }
0xa5: {  	s26 =	simm.s32 $execute0_lowered;
	[smem:$0x3FD2] =	sst s25  }
0xa6: {  	s5 =	sshll.u32 s26, $0x1;
	_ =	strace $0x80000046;
	[dreg:$0x1] =	wrdreg $0xFFFFFFFF  }
0xa7: {  	s28 =	simm.s32 $_size_execute0_lowered;
	s3 =	sadd.s32 s3, s5;
	[dreg:$0x0] =	wrdreg $0x0  }
0xa8: {  	s5 =	sshll.u32 s28, $0x1;
	[dreg:$0x2] =	wrdreg s3  }
0xa9: {  	[dreg:$0x3] =	wrdreg s5  }
0xaa: {  	[dreg:$0x4] =	wrdreg $0xC0  }
0xab: {  	_ =	task [dreg:s7], $0x5FFFF  }
0xac: {  	[dreg:$0x1] =	wrdreg $0xFFFFFFFF  }
0xad: {  	[dreg:$0x0] =	wrdreg $0x60  }
0xae: {  	[dreg:$0x2] =	wrdreg s2  }
0xaf: {  	[dreg:$0x3] =	wrdreg s24  }
0xb0: {  	[dreg:$0x4] =	wrdreg $0xBC000  }
0xb1: {  	[dreg:$0x5] =	wrdreg $0x9  }
0xb2: {  	_ =	task.clear_ibuf [dreg:s7], $0x6FFFF;
	_ =	strace $0x90000046  }
0xb3: {  	s29 =	simm.s32 $0x9;
	_ =	strace $0x80000048  }
0xb4: {  	_ =	swait.ge [sflag:s29], $0x1  }
0xb5: {  	[sflag:s29] =	ssyncadd.s32 $0xFFFFFFFF  }
0xb6: {  	_ =	strace $0x90000048  }
0xb7: {  	_ =	sfence  }
0xb8: {  	s30 =	sld [smem:$0x0];
	_ =	sdelay $0x2  }
0xb9: {  	s31 =	sshll.u32 s1, $0xD;
	s1 =	sshrl.u32 s1, $0x2  }
0xba: {  	s3 =	sand.u32 $0x4000, s31;
	s1 =	sadd.s32 s1, s30  }
0xbb: {  	s0 =	sor.u32 s3, s0;
	s1 =	sshll.u32 s1, $0x11  }
0xbc: {  	s0 =	sor.u32 s1, s0  }
0xbd: {  	s0 =	sadd.s32 $0x8F2B, s0  }
0xbe: {  	[sflag:s0] =	ssyncadd.remote.s32 $0x1  }
0xbf: {  	_ =	sfence.sel $0xFFFF  }
0xc0: {  	[dreg:$0x0] =	wrdreg $0xFFFFFFFF;
	(pc) =	sbr.abs _section_cstart, $3  }
0xc1: {  	[dreg:$0x1] =	wrdreg $0xFFFFFFFF  }
0xc2: {  	_ =	task.clear_ibuf [dreg:s7], $0x2FFFF;
	_ =	strace $0x9FFFFFFF  }
0xc3: {  	(tm) =	ssettm $0x7FFFFFFF  }
tec
execute0_lowered:
.L_overlay_start_1:
0x0: {  	(tag) =	ssettag $0x1  }
0x1: {  	s1 =	rddreg [dreg:$0x0]  }
0x2: {  	s0 =	srdreg.scid;
	s6 =	rddreg [dreg:$0x1]  }
0x3: {  	s3 =	rddreg [dreg:$0x2];
	s4 =	simm.s32 $0x0;
	s16 =	simm.s32 $0x2800  }
0x4: {  	s17 =	simm.s32 $0x7C00;
	s18 =	simm.s32 $0x1;
	s19 =	simm.s32 $0x2  }
0x5: {  	s20 =	simm.s32 $0x2780;
	s21 =	simm.s32 $0x3B00;
	s22 =	simm.s32 $0x3B80  }
0x6: {  	s23 =	simm.s32 $0x0;
	s5 =	sand.u32 $0x1, s0;
	s0 =	stileid.u32  }
0x7: {  	[smem:$0x7FF] =	sst s4;
	s12 =	sadd.s32 $0x2200, s6;
	s9 =	smul.u32 $0x13C00, s0  }
0x8: {  	s2 =	sshll.u32 s5, $0x4;
	s10 =	smul.u32 $0x13C000, s5;
	s5 =	ssub.s32 $0x2, s5  }
0x9: {  	s28 =	smul.u32 $0x4F000, s0;
	s31 =	sshll.u32 s0, $0x6;
	s7 =	sor.u32 s0, s2  }
0xa: {  	s2 =	rddreg [dreg:$0x3];
	_ =	strace $0x80000047;
	s14 =	sshrl.u32 s5, $0x1  }
0xb: {  	s8 =	smul.u32 $0x500, s7;
	s13 =	sshrl.u32 s9, $0x3;
	s9 =	sadd.s32 s9, s10  }
0xc: {  	s7 =	smul.u32 $0x2800, s7;
	s14 =	ssub.s32 s5, s14;
	s29 =	sshrl.u32 s28, $0x2  }
0xd: {  	s9 =	sshrl.u32 s9, $0x3;
	s13 =	sadd.s32 s13, s6;
	s15 =	sadd.s32 s29, s3  }
0xe: {  	s10 =	smax.u32 s14, $0x1;
	s14 =	simm.s32 $0x80;
	s11 =	sadd.s32 s8, s6  }
0xf: {  	s9 =	sadd.s32 s9, s6;
	s7 =	sshrl.u32 s7, $0x3;
	s6 =	sadd.s32 $0x2A200, s13  }
0x10: {  	s13 =	sshrl.u32 s15, $0x3;
	s15 =	simm.s32 $0x3C00;
	s5 =	sadd.s32 $0xC200, s11  }
0x11: {  	s30 =	sadd.s32 s12, s7;
	s7 =	sadd.s32 s12, s8;
	s9 =	sadd.s32 $0x51A00, s9  }
0x12: {  	s11 =	simm.s32 $0x3;
	s12 =	sor.u32 $0x1C03, s31;
	s8 =	sadd.s32 $0x280, s30  }
.LBB2_1:
0x13: {  	[tilespmem:s4], [sflag:$0x3] =	stream.linear.gather [hbm4b:s5+s4], $0x2800, $0x38;
	[tilespmem:$0x1F800] =	vst v63  }
0x14: {  	_ =	swait.ge [sflag:s11], $0x2800  }
0x15: {  	[sflag:s11] =	ssyncset.done $0x0  }
0x16: {  	[sflag:s11] =	ssyncadd.s32 $0xFFFFD800  }
0x17: {  	[spmem:s13], [sflag:s12] =	dma.local [hbm:s6], $0x2780  }
0x18: {  	_ =	swait.ge [sflag:s11], $0x2780  }
0x19: {  	[sflag:s11] =	ssyncset.done $0x0  }
0x1a: {  	[sflag:s11] =	ssyncadd.s32 $0xFFFFD880  }
0x1b: {  	[tilespmem:s15], [sflag:$0x1] =	stream.indirect.gather [hbm4b:s1+s14], $0x80, s4, s14, $0xb8;
	[tilespmem:$0x1F800] =	vst v63  }
0x1c: {  	[bflag:$0x0] =	sbarrier.arrive $0xFFFF  }
0x1d: {  	[tilespmem:s16], [sflag:$0x3] =	stream.linear.gather [hbm4b:s7+s4], $0x1400, $0x38;
	[tilespmem:$0x1F800] =	vst v63  }
0x1e: {  	_ =	swait.ge [sflag:s11], $0x1400  }
0x1f: {  	[sflag:s11] =	ssyncset.done $0x0  }
0x20: {  	s24 =	simm.s32 $0x80;
	[sflag:s11] =	ssyncadd.s32 $0xFFFFEC00  }
0x21: {  	[tilespmem:s17], [sflag:$0x2] =	stream.indirect.gather [hbm4b:s1+s14], $0x80, s24, s14, $0xb8;
	[tilespmem:$0x1F800] =	vst v63  }
0x22: {  	_ =	swait.ge [sflag:s18], $0x4000  }
0x23: {  	[sflag:s18] =	ssyncset.done $0x0  }
0x24: {  	s29 =	simm.s32 $0x2800;
	[sflag:s18] =	ssyncadd.s32 $0xFFFFC000  }
0x25: {  	[spmem:s3] =	stream.indirect.scatter.add.f32 [tilespmem:s15], [sflag:$0x3], $0x80, s29, s14, $0xb8;
	[tilespmem:$0x1F800] =	vst v63  }
0x26: {  	_ =	swait.ge [sflag:s11], $0x4000  }
0x27: {  	[sflag:s11] =	ssyncset.done $0x0  }
0x28: {  	s30 =	simm.s32 $0x100;
	[sflag:s11] =	ssyncadd.s32 $0xFFFFC000  }
0x29: {  	[tilespmem:s15], [sflag:$0x1] =	stream.indirect.gather [hbm4b:s1+s14], $0x80, s30, s14, $0xb8;
	[tilespmem:$0x1F800] =	vst v63  }
0x2a: {  	_ =	swait.ge [sflag:s19], $0x4000  }
0x2b: {  	[sflag:s19] =	ssyncset.done $0x0  }
0x2c: {  	s31 =	simm.s32 $0x2880;
	[sflag:s19] =	ssyncadd.s32 $0xFFFFC000  }
0x2d: {  	[spmem:s3] =	stream.indirect.scatter.add.f32 [tilespmem:s17], [sflag:$0x3], $0x80, s31, s14, $0xb8;
	[tilespmem:$0x1F800] =	vst v63  }
0x2e: {  	_ =	swait.ge [sflag:s11], $0x4000  }
0x2f: {  	s25 =	simm.s32 $0x800;
	s24 =	simm.s32 $0x100;
	[sflag:s11] =	ssyncset.done $0x0  }
.LBB2_2:
0x30: {  	s26 =	sadd.s32 $0x80, s24  }
0x31: {  	[sflag:s11] =	ssyncadd.s32 $0xFFFFC000;
	s28 =	smov.u32 s25;
	s29 =	sadd.s32 $0x400, s25  }
0x32: {  	[tilespmem:s17], [sflag:$0x2] =	stream.indirect.gather [hbm4b:s1+s14], $0x80, s26, s14, $0xb8;
	[tilespmem:$0x1F800] =	vst v63  }
0x33: {  	p0 =	sne.s32 s25, $0x4C00;
	_ =	swait.ge [sflag:s18], $0x4000  }
0x34: {  	[sflag:s18] =	ssyncset.done $0x0  }
0x35: {  	s25 =	sadd.s32 $0x2800, s24;
	[sflag:s18] =	ssyncadd.s32 $0xFFFFC000  }
0x36: {  	[spmem:s3] =	stream.indirect.scatter.add.f32 [tilespmem:s15], [sflag:$0x3], $0x80, s25, s14, $0xb8;
	[tilespmem:$0x1F800] =	vst v63  }
0x37: {  	_ =	swait.ge [sflag:s11], $0x4000  }
0x38: {  	[sflag:s11] =	ssyncset.done $0x0  }
0x39: {  	s25 =	sadd.s32 $0x100, s24;
	[sflag:s11] =	ssyncadd.s32 $0xFFFFC000  }
0x3a: {  	[tilespmem:s15], [sflag:$0x1] =	stream.indirect.gather [hbm4b:s1+s14], $0x80, s25, s14, $0xb8;
	[tilespmem:$0x1F800] =	vst v63  }
0x3b: {  	_ =	swait.ge [sflag:s19], $0x4000  }
.Ltmp0:
0x3c: {  	[sflag:s19] =	ssyncset.done $0x0;
	(pc) =	sbr.rel @p0 .LBB2_2-.Ltmp0, $4  }
0x3d: {  	s24 =	sadd.s32 $0x2880, s24;
	[sflag:s19] =	ssyncadd.s32 $0xFFFFC000  }
0x3e: {  	[spmem:s3] =	stream.indirect.scatter.add.f32 [tilespmem:s17], [sflag:$0x3], $0x80, s24, s14, $0xb8;
	[tilespmem:$0x1F800] =	vst v63  }
0x3f: {  	_ =	swait.ge [sflag:s11], $0x4000  }
0x40: {  	s25 =	smov.u32 s29;
	s24 =	sshra.s32 s28, $0x2;
	[sflag:s11] =	ssyncset.done $0x0  }
0x41: {  	s25 =	sadd.s32 $0x80, s24;
	[sflag:s11] =	ssyncadd.s32 $0xFFFFC000  }
0x42: {  	[tilespmem:s17], [sflag:$0x2] =	stream.indirect.gather [hbm4b:s1+s14], $0x80, s25, s14, $0xb8;
	[tilespmem:$0x1F800] =	vst v63  }
0x43: {  	_ =	swait.ge [sflag:s18], $0x4000  }
0x44: {  	[sflag:s18] =	ssyncset.done $0x0  }
0x45: {  	s30 =	sadd.s32 $0x2800, s24;
	[sflag:s18] =	ssyncadd.s32 $0xFFFFC000  }
0x46: {  	[spmem:s3] =	stream.indirect.scatter.add.f32 [tilespmem:s15], [sflag:$0x3], $0x80, s30, s14, $0xb8;
	[tilespmem:$0x1F800] =	vst v63  }
0x47: {  	_ =	swait.ge [sflag:s11], $0x4000  }
0x48: {  	[sflag:s11] =	ssyncset.done $0x0  }
0x49: {  	s31 =	sadd.s32 $0x100, s24;
	[sflag:s11] =	ssyncadd.s32 $0xFFFFC000  }
0x4a: {  	[tilespmem:s15], [sflag:$0x1] =	stream.indirect.gather [hbm4b:s1+s14], $0x80, s31, s14, $0xb8;
	[tilespmem:$0x1F800] =	vst v63  }
0x4b: {  	_ =	swait.ge [sflag:s19], $0x4000  }
0x4c: {  	[sflag:s19] =	ssyncset.done $0x0  }
0x4d: {  	s25 =	sadd.s32 $0x2880, s24;
	[sflag:s19] =	ssyncadd.s32 $0xFFFFC000  }
0x4e: {  	[spmem:s3] =	stream.indirect.scatter.add.f32 [tilespmem:s17], [sflag:$0x3], $0x80, s25, s14, $0xb8;
	[tilespmem:$0x1F800] =	vst v63  }
0x4f: {  	_ =	swait.ge [sflag:s11], $0x4000  }
0x50: {  	[sflag:s11] =	ssyncset.done $0x0  }
0x51: {  	s26 =	simm.s32 $0x0;
	[sflag:s11] =	ssyncadd.s32 $0xFFFFC000  }
0x52: {  	[tilespmem:s16], [sflag:$0x3] =	stream.linear.gather [hbm4b:s8+s26], $0x1400, $0x38;
	[tilespmem:$0x1F800] =	vst v63  }
0x53: {  	_ =	swait.ge [sflag:s11], $0x1400  }
0x54: {  	[sflag:s11] =	ssyncset.done $0x0  }
0x55: {  	s28 =	simm.s32 $0x1480;
	[sflag:s11] =	ssyncadd.s32 $0xFFFFEC00  }
0x56: {  	[tilespmem:s17], [sflag:$0x2] =	stream.indirect.gather [hbm4b:s1+s14], $0x80, s28, s14, $0xb8;
	[tilespmem:$0x1F800] =	vst v63  }
0x57: {  	_ =	swait.ge [sflag:s18], $0x4000  }
0x58: {  	[sflag:s18] =	ssyncset.done $0x0  }
0x59: {  	s29 =	simm.s32 $0x2800;
	[sflag:s18] =	ssyncadd.s32 $0xFFFFC000  }
0x5a: {  	[spmem:s3] =	stream.indirect.scatter.add.f32 [tilespmem:s15], [sflag:$0x3], $0x80, s29, s14, $0xb8;
	[tilespmem:$0x1F800] =	vst v63  }
0x5b: {  	_ =	swait.ge [sflag:s11], $0x4000  }
0x5c: {  	[sflag:s11] =	ssyncset.done $0x0  }
0x5d: {  	s30 =	simm.s32 $0x1500;
	[sflag:s11] =	ssyncadd.s32 $0xFFFFC000  }
0x5e: {  	[tilespmem:s15], [sflag:$0x1] =	stream.indirect.gather [hbm4b:s1+s14], $0x80, s30, s14, $0xb8;
	[tilespmem:$0x1F800] =	vst v63  }
0x5f: {  	_ =	swait.ge [sflag:s19], $0x4000  }
0x60: {  	[sflag:s19] =	ssyncset.done $0x0  }
0x61: {  	s31 =	simm.s32 $0x2880;
	[sflag:s19] =	ssyncadd.s32 $0xFFFFC000  }
0x62: {  	[spmem:s3] =	stream.indirect.scatter.add.f32 [tilespmem:s17], [sflag:$0x3], $0x80, s31, s14, $0xb8;
	[tilespmem:$0x1F800] =	vst v63  }
0x63: {  	_ =	swait.ge [sflag:s11], $0x4000  }
0x64: {  	s24 =	simm.s32 $0x100;
	s25 =	simm.s32 $0x800;
	[sflag:s11] =	ssyncset.done $0x0  }
.LBB2_4:
0x65: {  	s26 =	sadd.s32 $0x1480, s24  }
0x66: {  	[sflag:s11] =	ssyncadd.s32 $0xFFFFC000;
	s28 =	smov.u32 s25;
	s29 =	sadd.s32 $0x400, s25  }
0x67: {  	[tilespmem:s17], [sflag:$0x2] =	stream.indirect.gather [hbm4b:s1+s14], $0x80, s26, s14, $0xb8;
	[tilespmem:$0x1F800] =	vst v63  }
0x68: {  	p0 =	sne.s32 s25, $0x4800;
	_ =	swait.ge [sflag:s18], $0x4000  }
0x69: {  	[sflag:s18] =	ssyncset.done $0x0  }
0x6a: {  	s25 =	sadd.s32 $0x2800, s24;
	[sflag:s18] =	ssyncadd.s32 $0xFFFFC000  }
0x6b: {  	[spmem:s3] =	stream.indirect.scatter.add.f32 [tilespmem:s15], [sflag:$0x3], $0x80, s25, s14, $0xb8;
	[tilespmem:$0x1F800] =	vst v63  }
0x6c: {  	_ =	swait.ge [sflag:s11], $0x4000  }
0x6d: {  	[sflag:s11] =	ssyncset.done $0x0  }
0x6e: {  	s25 =	sadd.s32 $0x1500, s24;
	[sflag:s11] =	ssyncadd.s32 $0xFFFFC000  }
0x6f: {  	[tilespmem:s15], [sflag:$0x1] =	stream.indirect.gather [hbm4b:s1+s14], $0x80, s25, s14, $0xb8;
	[tilespmem:$0x1F800] =	vst v63  }
0x70: {  	_ =	swait.ge [sflag:s19], $0x4000  }
.Ltmp1:
0x71: {  	[sflag:s19] =	ssyncset.done $0x0;
	(pc) =	sbr.rel @p0 .LBB2_4-.Ltmp1, $4  }
0x72: {  	s24 =	sadd.s32 $0x2880, s24;
	[sflag:s19] =	ssyncadd.s32 $0xFFFFC000  }
0x73: {  	[spmem:s3] =	stream.indirect.scatter.add.f32 [tilespmem:s17], [sflag:$0x3], $0x80, s24, s14, $0xb8;
	[tilespmem:$0x1F800] =	vst v63  }
0x74: {  	_ =	swait.ge [sflag:s11], $0x4000  }
0x75: {  	s25 =	smov.u32 s29;
	s24 =	sshra.s32 s28, $0x2;
	[sflag:s11] =	ssyncset.done $0x0  }
0x76: {  	s25 =	sadd.s32 $0x1480, s24;
	[sflag:s11] =	ssyncadd.s32 $0xFFFFC000  }
0x77: {  	[tilespmem:s17], [sflag:$0x2] =	stream.indirect.gather [hbm4b:s1+s14], $0x80, s25, s14, $0xb8;
	[tilespmem:$0x1F800] =	vst v63  }
0x78: {  	_ =	swait.ge [sflag:s18], $0x4000  }
0x79: {  	[sflag:s18] =	ssyncset.done $0x0  }
0x7a: {  	s29 =	sadd.s32 $0x2800, s24;
	[sflag:s18] =	ssyncadd.s32 $0xFFFFC000  }
0x7b: {  	[spmem:s3] =	stream.indirect.scatter.add.f32 [tilespmem:s15], [sflag:$0x3], $0x80, s29, s14, $0xb8;
	[tilespmem:$0x1F800] =	vst v63  }
0x7c: {  	_ =	swait.ge [sflag:s11], $0x4000  }
0x7d: {  	[sflag:s11] =	ssyncset.done $0x0  }
0x7e: {  	s30 =	sadd.s32 $0x1500, s24;
	[sflag:s11] =	ssyncadd.s32 $0xFFFFC000  }
0x7f: {  	[tilespmem:s15], [sflag:$0x1] =	stream.indirect.gather [hbm4b:s1+s14], $0x80, s30, s14, $0xb8;
	[tilespmem:$0x1F800] =	vst v63  }
0x80: {  	_ =	swait.ge [sflag:s19], $0x4000  }
0x81: {  	[sflag:s19] =	ssyncset.done $0x0  }
0x82: {  	s31 =	sadd.s32 $0x2880, s24;
	[sflag:s19] =	ssyncadd.s32 $0xFFFFC000  }
0x83: {  	[spmem:s3] =	stream.indirect.scatter.add.f32 [tilespmem:s17], [sflag:$0x3], $0x80, s31, s14, $0xb8;
	[tilespmem:$0x1F800] =	vst v63  }
0x84: {  	_ =	swait.ge [sflag:s11], $0x4000  }
0x85: {  	[sflag:s11] =	ssyncset.done $0x0  }
0x86: {  	[sflag:s11] =	ssyncadd.s32 $0xFFFFC000  }
0x87: {  	[tilespmem:s17], [sflag:$0x2] =	stream.indirect.gather [hbm4b:s1+s14], $0x80, s20, s14, $0xb8;
	[tilespmem:$0x1F800] =	vst v63  }
0x88: {  	_ =	swait.ge [sflag:s18], $0x4000  }
0x89: {  	[sflag:s18] =	ssyncset.done $0x0  }
0x8a: {  	[sflag:s18] =	ssyncadd.s32 $0xFFFFC000  }
0x8b: {  	[spmem:s3] =	stream.indirect.scatter.add.f32 [tilespmem:s15], [sflag:$0x3], $0x80, s21, s14, $0xb8;
	[tilespmem:$0x1F800] =	vst v63  }
0x8c: {  	_ =	swait.ge [sflag:s11], $0x4000  }
0x8d: {  	[sflag:s11] =	ssyncset.done $0x0  }
0x8e: {  	[sflag:s11] =	ssyncadd.s32 $0xFFFFC000  }
0x8f: {  	_ =	swait.ge [sflag:s19], $0x4000  }
0x90: {  	[sflag:s19] =	ssyncset.done $0x0  }
0x91: {  	[sflag:s19] =	ssyncadd.s32 $0xFFFFC000  }
0x92: {  	[spmem:s3] =	stream.indirect.scatter.add.f32 [tilespmem:s17], [sflag:$0x3], $0x80, s22, s14, $0xb8;
	[tilespmem:$0x1F800] =	vst v63  }
0x93: {  	_ =	swait.ge [sflag:s11], $0x4000  }
0x94: {  	s23 =	sadd.s32 $0x1, s23;
	[sflag:s11] =	ssyncset.done $0x0  }
0x95: {  	p0 =	sne.s32 s23, s10;
	[sflag:s11] =	ssyncadd.s32 $0xFFFFC000  }
.Ltmp2:
0x96: {  	[bflag:$0x0] =	sbarrier.arrive $0xFFFF;
	(pc) =	sbr.rel @p0 .LBB2_1-.Ltmp2, $4  }
0x97: {  	[hbm:s9], [sflag:s12] =	dma.local [spmem:s13], $0x2780  }
0x98: {  	_ =	swait.ge [sflag:s11], $0x2780  }
0x99: {  	[sflag:s11] =	ssyncset.done $0x0  }
0x9a: {  	[sflag:s11] =	ssyncadd.s32 $0xFFFFD880  }
0x9b: {  	_ =	sfence.sel $0x180000  }
0x9c: {  	[bflag:$0x0] =	sbarrier.arrive $0xFFFF  }
0x9d: {  	p0 =	sne.s32 s0, $0x0;
	_ =	strace $0x90000047  }
0x9e: {  	s0 =	sadd.s32 @!p0 $0x100000, s2;
	[bflag:$0x2] =	sbarrier.arrive $0xFFFF  }
0x9f: {  	[sflag:s0] =	ssyncadd.tile.s32 @!p0 $0x1;
	_ =	shalt  }
.Lfunc_end2:
_tile_overlayer_lowered:
.L_overlay_start_2:
0xa0: {  	(tag) =	ssettag $0x2  }
0xa1: {  	s0 =	rddreg [dreg:$0x0];
	s2 =	stileid.u32  }
0xa2: {  	s1 =	rddreg [dreg:$0x1];
	p0 =	sne.s32 s2, $0x0  }
0xa3: {  	s3 =	rddreg [dreg:$0x2];
	[bflag:$0x3] =	sbarrier.arrive $0xFFFF;
	s2 =	simm.s32 @!p0 $0x1C03  }
0xa4: {  	[timem:s3], [sflag:s2] =	dma.local @!p0 [hbm:s0], s1  }
0xa5: {  	s0 =	simm.s32 @!p0 $0x3  }
0xa6: {  	_ =	swait.ge @!p0 [sflag:s0], s1  }
0xa7: {  	s1 =	ssub.s32 @!p0 $0x0, s1;
	[sflag:s0] =	ssyncset.done @!p0 $0x0  }
0xa8: {  	[sflag:s0] =	ssyncadd.s32 @!p0 s1  }
0xa9: {  	[bflag:$0x3] =	sbarrier.arrive $0xFFFF  }
0xaa: {  	_ =	shalt  }

</sc_bundles>
